<compile_context>
chip_gen: v7x
topology: tpu7x:2x2x1
jax: 0.10.2.dev20260603
libtpu: 0.0.44.dev20260713+nightly
codegen_flags: <defaults>
</compile_context>

<pallas_src>
import jax
import jax.numpy as jnp
from jax import lax
from jax.experimental import pallas as pl
from jax.experimental.pallas import tpu as pltpu
from jax.experimental.pallas import tpu_sc as plsc

B = 4096
T = 77
D = 128
NC = 2
NS = 16
NW = NC * NS
NBUF = 8
TPAD = 80


def _make_gather(nb):
  seq_per_w = nb // NW

  def body(tok_hbm, table_hbm, out_hbm, idx_v, bufs, *sems):
    sem_g = sems[:NBUF]
    sem_s = sems[NBUF:]
    wid = lax.axis_index("s") * NC + lax.axis_index("c")
    seq0 = wid * seq_per_w

    pltpu.sync_copy(tok_hbm.at[pl.ds(seq0, seq_per_w)], idx_v)

    def gather(s, b):
      return pltpu.make_async_copy(table_hbm.at[idx_v.at[s]],
                                   bufs.at[b, pl.ds(0, T)], sem_g[b])

    def scatter(s, b):
      return pltpu.make_async_copy(
          bufs.at[b], out_hbm.at[pl.ds((seq0 + s) * TPAD, TPAD)], sem_s[b])

    def step(s, b, refill, drain):
      b2 = (b + NBUF // 2) % NBUF
      if refill:
        if drain:
          scatter(s - NBUF // 2, b2).wait()
        gather(s + NBUF // 2, b2).start()
      gather(s, b).wait()
      scatter(s, b).start()

    for b in range(NBUF // 2):
      gather(b, b).start()

    for b in range(NBUF):
      step(b, b, refill=True, drain=(b >= NBUF // 2))

    def outer(g, carry):
      for b in range(NBUF):
        step(g * NBUF + b, b, refill=True, drain=True)
      return carry

    lax.fori_loop(1, seq_per_w // NBUF - 1, outer, 0)

    g = seq_per_w // NBUF - 1
    for b in range(NBUF):
      step(g * NBUF + b, b, refill=(b < NBUF // 2), drain=(b < NBUF // 2))

    for b in range(NBUF):
      scatter(g * NBUF + b, b).wait()

  return pl.kernel(
      body,
      out_type=jax.ShapeDtypeStruct((nb * TPAD, D), jnp.float32),
      mesh=plsc.VectorSubcoreMesh(core_axis_name="c", subcore_axis_name="s"),
      scratch_types=[
          pltpu.VMEM((seq_per_w, T), jnp.int32),
          pltpu.VMEM((NBUF, TPAD, D), jnp.float32),
      ] + [pltpu.SemaphoreType.DMA] * (2 * NBUF),
  )


_gather = _make_gather(B)


@jax.jit
def kernel(tokens, token_embedding, position_embedding):
  g3 = _gather(tokens, token_embedding).reshape(B, TPAD, D)
  return g3[:, :T, :] + position_embedding[None, :, :]

# --- scband reference (transcript-rebuilt; emitter-appended) ---
"""Pipeline reference for scband-clipembeddings-1434519077575 (READ-ONLY COPY).

The authoritative reference and input builder live on the scoring server;
editing this copy changes nothing except your own understanding.
"""

import jax, jax.numpy as jnp
import numpy as np

N_VOCAB = 100000
N_EMBDS = 128
N_TOKENS = 77
BATCH = 4096


def setup_inputs(seed: int = 0) -> dict:
    key = jax.random.key(seed)
    k_tok, k_tab, k_pos = jax.random.split(key, 3)
    tokens = jax.random.randint(k_tok, (BATCH, N_TOKENS), 0, N_VOCAB, dtype=jnp.int64 if jax.config.jax_enable_x64 else jnp.int32)
    token_embedding = jax.random.normal(k_tab, (N_VOCAB, N_EMBDS), dtype=jnp.float32) * 0.02
    position_embedding = jnp.zeros((N_TOKENS, N_EMBDS), dtype=jnp.float32)
    return {"tokens": tokens, "token_embedding": token_embedding, "position_embedding": position_embedding}


def reference(tokens, token_embedding, position_embedding):
    # x = self.token_embedding(tokens)  -> gather rows
    x = jnp.take(token_embedding, tokens, axis=0)  # [B, T, D]
    # x += self.position_embedding (broadcast over batch)
    x = x + position_embedding[None, :, :]
    return x

if __name__ == "__main__":
    import jax
    _d = setup_inputs()
    print(jax.jit(kernel)(*tuple(_d.values())))

</pallas_src>

<mosaic_0001>
#map = affine_map<(d0, d1) -> (0, 0)>
module attributes {stable_mosaic.version = 14 : i64} {
  func.func @body(%arg0: i32, %arg1: i32, %arg2: memref<4096x77xi32, #tpu.memory_space<hbm>>, %arg3: memref<100000x128xf32, #tpu.memory_space<hbm>>, %arg4: memref<327680x128xf32, #tpu.memory_space<hbm>>, %arg5: memref<128x77xi32, #tpu.memory_space<vmem>>, %arg6: memref<8x80x128xf32, #tpu.memory_space<vmem>>, %arg7: memref<!tpu.dma_semaphore, #tpu.memory_space<semaphore_mem>>, %arg8: memref<!tpu.dma_semaphore, #tpu.memory_space<semaphore_mem>>, %arg9: memref<!tpu.dma_semaphore, #tpu.memory_space<semaphore_mem>>, %arg10: memref<!tpu.dma_semaphore, #tpu.memory_space<semaphore_mem>>, %arg11: memref<!tpu.dma_semaphore, #tpu.memory_space<semaphore_mem>>, %arg12: memref<!tpu.dma_semaphore, #tpu.memory_space<semaphore_mem>>, %arg13: memref<!tpu.dma_semaphore, #tpu.memory_space<semaphore_mem>>, %arg14: memref<!tpu.dma_semaphore, #tpu.memory_space<semaphore_mem>>, %arg15: memref<!tpu.dma_semaphore, #tpu.memory_space<semaphore_mem>>, %arg16: memref<!tpu.dma_semaphore, #tpu.memory_space<semaphore_mem>>, %arg17: memref<!tpu.dma_semaphore, #tpu.memory_space<semaphore_mem>>, %arg18: memref<!tpu.dma_semaphore, #tpu.memory_space<semaphore_mem>>, %arg19: memref<!tpu.dma_semaphore, #tpu.memory_space<semaphore_mem>>, %arg20: memref<!tpu.dma_semaphore, #tpu.memory_space<semaphore_mem>>, %arg21: memref<!tpu.dma_semaphore, #tpu.memory_space<semaphore_mem>>, %arg22: memref<!tpu.dma_semaphore, #tpu.memory_space<semaphore_mem>>) attributes {dimension_semantics = [#tpu.dimension_semantics<core_parallel>, #tpu.dimension_semantics<subcore_parallel>], iteration_bounds = array<i64: 2, 16>, scalar_prefetch = 0 : i64, scratch_operands = 18 : i64, tpu.core_type = #tpu.core_type<sc_vector_subcore>, window_params = [{transform_indices = #map}, {transform_indices = #map}, {transform_indices = #map}]} {
    %mul3A = arith.constant 2 : i32
    %mul3A_0 = arith.muli %arg1, %mul3A : i32
    %add3A = arith.addi %mul3A_0, %arg0 : i32
    %mul3A_1 = arith.constant 128 : i32
    %mul3A_2 = arith.muli %add3A, %mul3A_1 : i32
    "tpu.region"() ({
      %run_scoped3A = tpu.sem_alloc : memref<!tpu.dma_semaphore, #tpu.memory_space<semaphore_mem>>
      %dma_start3A_934 = arith.constant 0 : i32
      %dma_start3A_935 = tpu.memref_slice %arg2[%mul3A_2, %dma_start3A_934] : memref<4096x77xi32, #tpu.memory_space<hbm>> -> memref<128x77xi32, #tpu.memory_space<hbm>>
      %dma_start3A_936 = arith.constant 0 : i32
      %dma_start3A_937 = tpu.memref_slice %arg2[%mul3A_2, %dma_start3A_936] : memref<4096x77xi32, #tpu.memory_space<hbm>> -> memref<128x77xi32, #tpu.memory_space<hbm>>
      tpu.enqueue_dma source(%dma_start3A_937 : memref<128x77xi32, #tpu.memory_space<hbm>>) target(%arg5 : memref<128x77xi32, #tpu.memory_space<vmem>>) target_semaphore(%run_scoped3A : memref<!tpu.dma_semaphore, #tpu.memory_space<semaphore_mem>>)
      %dma_wait3A_938 = arith.constant 0 : i32
      %dma_wait3A_939 = tpu.memref_slice %arg2[%mul3A_2, %dma_wait3A_938] : memref<4096x77xi32, #tpu.memory_space<hbm>> -> memref<128x77xi32, #tpu.memory_space<hbm>>
      %dma_wait3A_940 = arith.constant 0 : i32
      %dma_wait3A_941 = tpu.memref_slice %arg2[%mul3A_2, %dma_wait3A_940] : memref<4096x77xi32, #tpu.memory_space<hbm>> -> memref<128x77xi32, #tpu.memory_space<hbm>>
      tpu.wait_dma2 semaphore(%run_scoped3A : memref<!tpu.dma_semaphore, #tpu.memory_space<semaphore_mem>>) src(%dma_wait3A_941 : memref<128x77xi32, #tpu.memory_space<hbm>>) dst(%arg5 : memref<128x77xi32, #tpu.memory_space<vmem>>)
      tpu.yield
    }) : () -> ()
    %dma_start3A = arith.constant 0 : i32
    %dma_start3A_3 = arith.constant 0 : i32
    %dma_start3A_4 = arith.constant 0 : i32
    %dma_start3A_5 = arith.constant 0 : i32
    %dma_start3A_6 = tpu.memref_slice %arg6[%dma_start3A_3, %dma_start3A_4, %dma_start3A_5] : memref<8x80x128xf32, #tpu.memory_space<vmem>> -> memref<1x77x128xf32, #tpu.memory_space<vmem>>
    %dma_start3A_7 = tpu.memref_squeeze %dma_start3A_6 : memref<1x77x128xf32, #tpu.memory_space<vmem>> -> memref<77x128xf32, #tpu.memory_space<vmem>>
    %dma_start3A_8 = arith.constant 0 : i32
    %dma_start3A_9 = tpu.memref_slice %arg5[%dma_start3A, %dma_start3A_8] : memref<128x77xi32, #tpu.memory_space<vmem>> -> memref<1x77xi32, #tpu.memory_space<vmem>>
    %dma_start3A_10 = tpu.memref_squeeze %dma_start3A_9 : memref<1x77xi32, #tpu.memory_space<vmem>> -> memref<77xi32, #tpu.memory_space<vmem>>
    %dma_start3A_11 = arith.constant 0 : i32
    %dma_start3A_12 = arith.constant 0 : i32
    %dma_start3A_13 = tpu.memref_slice %arg3[%dma_start3A_11, %dma_start3A_12] : memref<100000x128xf32, #tpu.memory_space<hbm>> -> memref<100000x128xf32, #tpu.memory_space<hbm>>
    tpu.enqueue_indirect_dma source(%dma_start3A_13 : memref<100000x128xf32, #tpu.memory_space<hbm>>) target(%dma_start3A_7 : memref<77x128xf32, #tpu.memory_space<vmem>>) offsets(%dma_start3A_10 : memref<77xi32, #tpu.memory_space<vmem>>) semaphore(%arg7 : memref<!tpu.dma_semaphore, #tpu.memory_space<semaphore_mem>>)
    %dma_start3A_14 = arith.constant 1 : i32
    %dma_start3A_15 = arith.constant 1 : i32
    %dma_start3A_16 = arith.constant 0 : i32
    %dma_start3A_17 = arith.constant 0 : i32
    %dma_start3A_18 = tpu.memref_slice %arg6[%dma_start3A_15, %dma_start3A_16, %dma_start3A_17] : memref<8x80x128xf32, #tpu.memory_space<vmem>> -> memref<1x77x128xf32, #tpu.memory_space<vmem>>
    %dma_start3A_19 = tpu.memref_squeeze %dma_start3A_18 : memref<1x77x128xf32, #tpu.memory_space<vmem>> -> memref<77x128xf32, #tpu.memory_space<vmem>>
    %dma_start3A_20 = arith.constant 0 : i32
    %dma_start3A_21 = tpu.memref_slice %arg5[%dma_start3A_14, %dma_start3A_20] : memref<128x77xi32, #tpu.memory_space<vmem>> -> memref<1x77xi32, #tpu.memory_space<vmem>>
    %dma_start3A_22 = tpu.memref_squeeze %dma_start3A_21 : memref<1x77xi32, #tpu.memory_space<vmem>> -> memref<77xi32, #tpu.memory_space<vmem>>
    %dma_start3A_23 = arith.constant 0 : i32
    %dma_start3A_24 = arith.constant 0 : i32
    %dma_start3A_25 = tpu.memref_slice %arg3[%dma_start3A_23, %dma_start3A_24] : memref<100000x128xf32, #tpu.memory_space<hbm>> -> memref<100000x128xf32, #tpu.memory_space<hbm>>
    tpu.enqueue_indirect_dma source(%dma_start3A_25 : memref<100000x128xf32, #tpu.memory_space<hbm>>) target(%dma_start3A_19 : memref<77x128xf32, #tpu.memory_space<vmem>>) offsets(%dma_start3A_22 : memref<77xi32, #tpu.memory_space<vmem>>) semaphore(%arg8 : memref<!tpu.dma_semaphore, #tpu.memory_space<semaphore_mem>>)
    %dma_start3A_26 = arith.constant 2 : i32
    %dma_start3A_27 = arith.constant 2 : i32
    %dma_start3A_28 = arith.constant 0 : i32
    %dma_start3A_29 = arith.constant 0 : i32
    %dma_start3A_30 = tpu.memref_slice %arg6[%dma_start3A_27, %dma_start3A_28, %dma_start3A_29] : memref<8x80x128xf32, #tpu.memory_space<vmem>> -> memref<1x77x128xf32, #tpu.memory_space<vmem>>
    %dma_start3A_31 = tpu.memref_squeeze %dma_start3A_30 : memref<1x77x128xf32, #tpu.memory_space<vmem>> -> memref<77x128xf32, #tpu.memory_space<vmem>>
    %dma_start3A_32 = arith.constant 0 : i32
    %dma_start3A_33 = tpu.memref_slice %arg5[%dma_start3A_26, %dma_start3A_32] : memref<128x77xi32, #tpu.memory_space<vmem>> -> memref<1x77xi32, #tpu.memory_space<vmem>>
    %dma_start3A_34 = tpu.memref_squeeze %dma_start3A_33 : memref<1x77xi32, #tpu.memory_space<vmem>> -> memref<77xi32, #tpu.memory_space<vmem>>
    %dma_start3A_35 = arith.constant 0 : i32
    %dma_start3A_36 = arith.constant 0 : i32
    %dma_start3A_37 = tpu.memref_slice %arg3[%dma_start3A_35, %dma_start3A_36] : memref<100000x128xf32, #tpu.memory_space<hbm>> -> memref<100000x128xf32, #tpu.memory_space<hbm>>
    tpu.enqueue_indirect_dma source(%dma_start3A_37 : memref<100000x128xf32, #tpu.memory_space<hbm>>) target(%dma_start3A_31 : memref<77x128xf32, #tpu.memory_space<vmem>>) offsets(%dma_start3A_34 : memref<77xi32, #tpu.memory_space<vmem>>) semaphore(%arg9 : memref<!tpu.dma_semaphore, #tpu.memory_space<semaphore_mem>>)
    %dma_start3A_38 = arith.constant 3 : i32
    %dma_start3A_39 = arith.constant 3 : i32
    %dma_start3A_40 = arith.constant 0 : i32
    %dma_start3A_41 = arith.constant 0 : i32
    %dma_start3A_42 = tpu.memref_slice %arg6[%dma_start3A_39, %dma_start3A_40, %dma_start3A_41] : memref<8x80x128xf32, #tpu.memory_space<vmem>> -> memref<1x77x128xf32, #tpu.memory_space<vmem>>
    %dma_start3A_43 = tpu.memref_squeeze %dma_start3A_42 : memref<1x77x128xf32, #tpu.memory_space<vmem>> -> memref<77x128xf32, #tpu.memory_space<vmem>>
    %dma_start3A_44 = arith.constant 0 : i32
    %dma_start3A_45 = tpu.memref_slice %arg5[%dma_start3A_38, %dma_start3A_44] : memref<128x77xi32, #tpu.memory_space<vmem>> -> memref<1x77xi32, #tpu.memory_space<vmem>>
    %dma_start3A_46 = tpu.memref_squeeze %dma_start3A_45 : memref<1x77xi32, #tpu.memory_space<vmem>> -> memref<77xi32, #tpu.memory_space<vmem>>
    %dma_start3A_47 = arith.constant 0 : i32
    %dma_start3A_48 = arith.constant 0 : i32
    %dma_start3A_49 = tpu.memref_slice %arg3[%dma_start3A_47, %dma_start3A_48] : memref<100000x128xf32, #tpu.memory_space<hbm>> -> memref<100000x128xf32, #tpu.memory_space<hbm>>
    tpu.enqueue_indirect_dma source(%dma_start3A_49 : memref<100000x128xf32, #tpu.memory_space<hbm>>) target(%dma_start3A_43 : memref<77x128xf32, #tpu.memory_space<vmem>>) offsets(%dma_start3A_46 : memref<77xi32, #tpu.memory_space<vmem>>) semaphore(%arg10 : memref<!tpu.dma_semaphore, #tpu.memory_space<semaphore_mem>>)
    %dma_start3A_50 = arith.constant 4 : i32
    %dma_start3A_51 = arith.constant 4 : i32
    %dma_start3A_52 = arith.constant 0 : i32
    %dma_start3A_53 = arith.constant 0 : i32
    %dma_start3A_54 = tpu.memref_slice %arg6[%dma_start3A_51, %dma_start3A_52, %dma_start3A_53] : memref<8x80x128xf32, #tpu.memory_space<vmem>> -> memref<1x77x128xf32, #tpu.memory_space<vmem>>
    %dma_start3A_55 = tpu.memref_squeeze %dma_start3A_54 : memref<1x77x128xf32, #tpu.memory_space<vmem>> -> memref<77x128xf32, #tpu.memory_space<vmem>>
    %dma_start3A_56 = arith.constant 0 : i32
    %dma_start3A_57 = tpu.memref_slice %arg5[%dma_start3A_50, %dma_start3A_56] : memref<128x77xi32, #tpu.memory_space<vmem>> -> memref<1x77xi32, #tpu.memory_space<vmem>>
    %dma_start3A_58 = tpu.memref_squeeze %dma_start3A_57 : memref<1x77xi32, #tpu.memory_space<vmem>> -> memref<77xi32, #tpu.memory_space<vmem>>
    %dma_start3A_59 = arith.constant 0 : i32
    %dma_start3A_60 = arith.constant 0 : i32
    %dma_start3A_61 = tpu.memref_slice %arg3[%dma_start3A_59, %dma_start3A_60] : memref<100000x128xf32, #tpu.memory_space<hbm>> -> memref<100000x128xf32, #tpu.memory_space<hbm>>
    tpu.enqueue_indirect_dma source(%dma_start3A_61 : memref<100000x128xf32, #tpu.memory_space<hbm>>) target(%dma_start3A_55 : memref<77x128xf32, #tpu.memory_space<vmem>>) offsets(%dma_start3A_58 : memref<77xi32, #tpu.memory_space<vmem>>) semaphore(%arg11 : memref<!tpu.dma_semaphore, #tpu.memory_space<semaphore_mem>>)
    %dma_wait3A = arith.constant 0 : i32
    %dma_wait3A_62 = arith.constant 0 : i32
    %dma_wait3A_63 = arith.constant 0 : i32
    %dma_wait3A_64 = arith.constant 0 : i32
    %dma_wait3A_65 = tpu.memref_slice %arg6[%dma_wait3A_62, %dma_wait3A_63, %dma_wait3A_64] : memref<8x80x128xf32, #tpu.memory_space<vmem>> -> memref<1x77x128xf32, #tpu.memory_space<vmem>>
    %dma_wait3A_66 = tpu.memref_squeeze %dma_wait3A_65 : memref<1x77x128xf32, #tpu.memory_space<vmem>> -> memref<77x128xf32, #tpu.memory_space<vmem>>
    %dma_wait3A_67 = arith.constant 0 : i32
    %dma_wait3A_68 = tpu.memref_slice %arg5[%dma_wait3A, %dma_wait3A_67] : memref<128x77xi32, #tpu.memory_space<vmem>> -> memref<1x77xi32, #tpu.memory_space<vmem>>
    %dma_wait3A_69 = tpu.memref_squeeze %dma_wait3A_68 : memref<1x77xi32, #tpu.memory_space<vmem>> -> memref<77xi32, #tpu.memory_space<vmem>>
    %dma_wait3A_70 = arith.constant 0 : i32
    %dma_wait3A_71 = arith.constant 0 : i32
    %dma_wait3A_72 = tpu.memref_slice %arg3[%dma_wait3A_70, %dma_wait3A_71] : memref<100000x128xf32, #tpu.memory_space<hbm>> -> memref<100000x128xf32, #tpu.memory_space<hbm>>
    tpu.wait_indirect_dma semaphore(%arg7 : memref<!tpu.dma_semaphore, #tpu.memory_space<semaphore_mem>>) src(%dma_wait3A_72 : memref<100000x128xf32, #tpu.memory_space<hbm>>) dst(%dma_wait3A_66 : memref<77x128xf32, #tpu.memory_space<vmem>>)
    %add3A_73 = arith.constant 0 : i32
    %add3A_74 = arith.addi %mul3A_2, %add3A_73 : i32
    %mul3A_75 = arith.constant 80 : i32
    %mul3A_76 = arith.muli %add3A_74, %mul3A_75 : i32
    %dma_start3A_77 = arith.constant 0 : i32
    %dma_start3A_78 = arith.constant 0 : i32
    %dma_start3A_79 = arith.constant 0 : i32
    %dma_start3A_80 = tpu.memref_slice %arg6[%dma_start3A_77, %dma_start3A_78, %dma_start3A_79] : memref<8x80x128xf32, #tpu.memory_space<vmem>> -> memref<1x80x128xf32, #tpu.memory_space<vmem>>
    %dma_start3A_81 = tpu.memref_squeeze %dma_start3A_80 : memref<1x80x128xf32, #tpu.memory_space<vmem>> -> memref<80x128xf32, #tpu.memory_space<vmem>>
    %dma_start3A_82 = arith.constant 0 : i32
    %dma_start3A_83 = tpu.memref_slice %arg4[%mul3A_76, %dma_start3A_82] : memref<327680x128xf32, #tpu.memory_space<hbm>> -> memref<80x128xf32, #tpu.memory_space<hbm>>
    %dma_start3A_84 = arith.constant 0 : i32
    %dma_start3A_85 = tpu.memref_slice %arg4[%mul3A_76, %dma_start3A_84] : memref<327680x128xf32, #tpu.memory_space<hbm>> -> memref<80x128xf32, #tpu.memory_space<hbm>>
    %dma_start3A_86 = arith.constant 0 : i32
    %dma_start3A_87 = arith.constant 0 : i32
    %dma_start3A_88 = tpu.memref_slice %arg6[%dma_start3A_77, %dma_start3A_86, %dma_start3A_87] : memref<8x80x128xf32, #tpu.memory_space<vmem>> -> memref<1x80x128xf32, #tpu.memory_space<vmem>>
    %dma_start3A_89 = tpu.memref_squeeze %dma_start3A_88 : memref<1x80x128xf32, #tpu.memory_space<vmem>> -> memref<80x128xf32, #tpu.memory_space<vmem>>
    tpu.enqueue_dma source(%dma_start3A_89 : memref<80x128xf32, #tpu.memory_space<vmem>>) target(%dma_start3A_85 : memref<80x128xf32, #tpu.memory_space<hbm>>) target_semaphore(%arg15 : memref<!tpu.dma_semaphore, #tpu.memory_space<semaphore_mem>>)
    %dma_start3A_90 = arith.constant 5 : i32
    %dma_start3A_91 = arith.constant 5 : i32
    %dma_start3A_92 = arith.constant 0 : i32
    %dma_start3A_93 = arith.constant 0 : i32
    %dma_start3A_94 = tpu.memref_slice %arg6[%dma_start3A_91, %dma_start3A_92, %dma_start3A_93] : memref<8x80x128xf32, #tpu.memory_space<vmem>> -> memref<1x77x128xf32, #tpu.memory_space<vmem>>
    %dma_start3A_95 = tpu.memref_squeeze %dma_start3A_94 : memref<1x77x128xf32, #tpu.memory_space<vmem>> -> memref<77x128xf32, #tpu.memory_space<vmem>>
    %dma_start3A_96 = arith.constant 0 : i32
    %dma_start3A_97 = tpu.memref_slice %arg5[%dma_start3A_90, %dma_start3A_96] : memref<128x77xi32, #tpu.memory_space<vmem>> -> memref<1x77xi32, #tpu.memory_space<vmem>>
    %dma_start3A_98 = tpu.memref_squeeze %dma_start3A_97 : memref<1x77xi32, #tpu.memory_space<vmem>> -> memref<77xi32, #tpu.memory_space<vmem>>
    %dma_start3A_99 = arith.constant 0 : i32
    %dma_start3A_100 = arith.constant 0 : i32
    %dma_start3A_101 = tpu.memref_slice %arg3[%dma_start3A_99, %dma_start3A_100] : memref<100000x128xf32, #tpu.memory_space<hbm>> -> memref<100000x128xf32, #tpu.memory_space<hbm>>
    tpu.enqueue_indirect_dma source(%dma_start3A_101 : memref<100000x128xf32, #tpu.memory_space<hbm>>) target(%dma_start3A_95 : memref<77x128xf32, #tpu.memory_space<vmem>>) offsets(%dma_start3A_98 : memref<77xi32, #tpu.memory_space<vmem>>) semaphore(%arg12 : memref<!tpu.dma_semaphore, #tpu.memory_space<semaphore_mem>>)
    %dma_wait3A_102 = arith.constant 1 : i32
    %dma_wait3A_103 = arith.constant 1 : i32
    %dma_wait3A_104 = arith.constant 0 : i32
    %dma_wait3A_105 = arith.constant 0 : i32
    %dma_wait3A_106 = tpu.memref_slice %arg6[%dma_wait3A_103, %dma_wait3A_104, %dma_wait3A_105] : memref<8x80x128xf32, #tpu.memory_space<vmem>> -> memref<1x77x128xf32, #tpu.memory_space<vmem>>
    %dma_wait3A_107 = tpu.memref_squeeze %dma_wait3A_106 : memref<1x77x128xf32, #tpu.memory_space<vmem>> -> memref<77x128xf32, #tpu.memory_space<vmem>>
    %dma_wait3A_108 = arith.constant 0 : i32
    %dma_wait3A_109 = tpu.memref_slice %arg5[%dma_wait3A_102, %dma_wait3A_108] : memref<128x77xi32, #tpu.memory_space<vmem>> -> memref<1x77xi32, #tpu.memory_space<vmem>>
    %dma_wait3A_110 = tpu.memref_squeeze %dma_wait3A_109 : memref<1x77xi32, #tpu.memory_space<vmem>> -> memref<77xi32, #tpu.memory_space<vmem>>
    %dma_wait3A_111 = arith.constant 0 : i32
    %dma_wait3A_112 = arith.constant 0 : i32
    %dma_wait3A_113 = tpu.memref_slice %arg3[%dma_wait3A_111, %dma_wait3A_112] : memref<100000x128xf32, #tpu.memory_space<hbm>> -> memref<100000x128xf32, #tpu.memory_space<hbm>>
    tpu.wait_indirect_dma semaphore(%arg8 : memref<!tpu.dma_semaphore, #tpu.memory_space<semaphore_mem>>) src(%dma_wait3A_113 : memref<100000x128xf32, #tpu.memory_space<hbm>>) dst(%dma_wait3A_107 : memref<77x128xf32, #tpu.memory_space<vmem>>)
    %add3A_114 = arith.constant 1 : i32
    %add3A_115 = arith.addi %mul3A_2, %add3A_114 : i32
    %mul3A_116 = arith.constant 80 : i32
    %mul3A_117 = arith.muli %add3A_115, %mul3A_116 : i32
    %dma_start3A_118 = arith.constant 1 : i32
    %dma_start3A_119 = arith.constant 0 : i32
    %dma_start3A_120 = arith.constant 0 : i32
    %dma_start3A_121 = tpu.memref_slice %arg6[%dma_start3A_118, %dma_start3A_119, %dma_start3A_120] : memref<8x80x128xf32, #tpu.memory_space<vmem>> -> memref<1x80x128xf32, #tpu.memory_space<vmem>>
    %dma_start3A_122 = tpu.memref_squeeze %dma_start3A_121 : memref<1x80x128xf32, #tpu.memory_space<vmem>> -> memref<80x128xf32, #tpu.memory_space<vmem>>
    %dma_start3A_123 = arith.constant 0 : i32
    %dma_start3A_124 = tpu.memref_slice %arg4[%mul3A_117, %dma_start3A_123] : memref<327680x128xf32, #tpu.memory_space<hbm>> -> memref<80x128xf32, #tpu.memory_space<hbm>>
    %dma_start3A_125 = arith.constant 0 : i32
    %dma_start3A_126 = tpu.memref_slice %arg4[%mul3A_117, %dma_start3A_125] : memref<327680x128xf32, #tpu.memory_space<hbm>> -> memref<80x128xf32, #tpu.memory_space<hbm>>
    %dma_start3A_127 = arith.constant 0 : i32
    %dma_start3A_128 = arith.constant 0 : i32
    %dma_start3A_129 = tpu.memref_slice %arg6[%dma_start3A_118, %dma_start3A_127, %dma_start3A_128] : memref<8x80x128xf32, #tpu.memory_space<vmem>> -> memref<1x80x128xf32, #tpu.memory_space<vmem>>
    %dma_start3A_130 = tpu.memref_squeeze %dma_start3A_129 : memref<1x80x128xf32, #tpu.memory_space<vmem>> -> memref<80x128xf32, #tpu.memory_space<vmem>>
    tpu.enqueue_dma source(%dma_start3A_130 : memref<80x128xf32, #tpu.memory_space<vmem>>) target(%dma_start3A_126 : memref<80x128xf32, #tpu.memory_space<hbm>>) target_semaphore(%arg16 : memref<!tpu.dma_semaphore, #tpu.memory_space<semaphore_mem>>)
    %dma_start3A_131 = arith.constant 6 : i32
    %dma_start3A_132 = arith.constant 6 : i32
    %dma_start3A_133 = arith.constant 0 : i32
    %dma_start3A_134 = arith.constant 0 : i32
    %dma_start3A_135 = tpu.memref_slice %arg6[%dma_start3A_132, %dma_start3A_133, %dma_start3A_134] : memref<8x80x128xf32, #tpu.memory_space<vmem>> -> memref<1x77x128xf32, #tpu.memory_space<vmem>>
    %dma_start3A_136 = tpu.memref_squeeze %dma_start3A_135 : memref<1x77x128xf32, #tpu.memory_space<vmem>> -> memref<77x128xf32, #tpu.memory_space<vmem>>
    %dma_start3A_137 = arith.constant 0 : i32
    %dma_start3A_138 = tpu.memref_slice %arg5[%dma_start3A_131, %dma_start3A_137] : memref<128x77xi32, #tpu.memory_space<vmem>> -> memref<1x77xi32, #tpu.memory_space<vmem>>
    %dma_start3A_139 = tpu.memref_squeeze %dma_start3A_138 : memref<1x77xi32, #tpu.memory_space<vmem>> -> memref<77xi32, #tpu.memory_space<vmem>>
    %dma_start3A_140 = arith.constant 0 : i32
    %dma_start3A_141 = arith.constant 0 : i32
    %dma_start3A_142 = tpu.memref_slice %arg3[%dma_start3A_140, %dma_start3A_141] : memref<100000x128xf32, #tpu.memory_space<hbm>> -> memref<100000x128xf32, #tpu.memory_space<hbm>>
    tpu.enqueue_indirect_dma source(%dma_start3A_142 : memref<100000x128xf32, #tpu.memory_space<hbm>>) target(%dma_start3A_136 : memref<77x128xf32, #tpu.memory_space<vmem>>) offsets(%dma_start3A_139 : memref<77xi32, #tpu.memory_space<vmem>>) semaphore(%arg13 : memref<!tpu.dma_semaphore, #tpu.memory_space<semaphore_mem>>)
    %dma_wait3A_143 = arith.constant 2 : i32
    %dma_wait3A_144 = arith.constant 2 : i32
    %dma_wait3A_145 = arith.constant 0 : i32
    %dma_wait3A_146 = arith.constant 0 : i32
    %dma_wait3A_147 = tpu.memref_slice %arg6[%dma_wait3A_144, %dma_wait3A_145, %dma_wait3A_146] : memref<8x80x128xf32, #tpu.memory_space<vmem>> -> memref<1x77x128xf32, #tpu.memory_space<vmem>>
    %dma_wait3A_148 = tpu.memref_squeeze %dma_wait3A_147 : memref<1x77x128xf32, #tpu.memory_space<vmem>> -> memref<77x128xf32, #tpu.memory_space<vmem>>
    %dma_wait3A_149 = arith.constant 0 : i32
    %dma_wait3A_150 = tpu.memref_slice %arg5[%dma_wait3A_143, %dma_wait3A_149] : memref<128x77xi32, #tpu.memory_space<vmem>> -> memref<1x77xi32, #tpu.memory_space<vmem>>
    %dma_wait3A_151 = tpu.memref_squeeze %dma_wait3A_150 : memref<1x77xi32, #tpu.memory_space<vmem>> -> memref<77xi32, #tpu.memory_space<vmem>>
    %dma_wait3A_152 = arith.constant 0 : i32
    %dma_wait3A_153 = arith.constant 0 : i32
    %dma_wait3A_154 = tpu.memref_slice %arg3[%dma_wait3A_152, %dma_wait3A_153] : memref<100000x128xf32, #tpu.memory_space<hbm>> -> memref<100000x128xf32, #tpu.memory_space<hbm>>
    tpu.wait_indirect_dma semaphore(%arg9 : memref<!tpu.dma_semaphore, #tpu.memory_space<semaphore_mem>>) src(%dma_wait3A_154 : memref<100000x128xf32, #tpu.memory_space<hbm>>) dst(%dma_wait3A_148 : memref<77x128xf32, #tpu.memory_space<vmem>>)
    %add3A_155 = arith.constant 2 : i32
    %add3A_156 = arith.addi %mul3A_2, %add3A_155 : i32
    %mul3A_157 = arith.constant 80 : i32
    %mul3A_158 = arith.muli %add3A_156, %mul3A_157 : i32
    %dma_start3A_159 = arith.constant 2 : i32
    %dma_start3A_160 = arith.constant 0 : i32
    %dma_start3A_161 = arith.constant 0 : i32
    %dma_start3A_162 = tpu.memref_slice %arg6[%dma_start3A_159, %dma_start3A_160, %dma_start3A_161] : memref<8x80x128xf32, #tpu.memory_space<vmem>> -> memref<1x80x128xf32, #tpu.memory_space<vmem>>
    %dma_start3A_163 = tpu.memref_squeeze %dma_start3A_162 : memref<1x80x128xf32, #tpu.memory_space<vmem>> -> memref<80x128xf32, #tpu.memory_space<vmem>>
    %dma_start3A_164 = arith.constant 0 : i32
    %dma_start3A_165 = tpu.memref_slice %arg4[%mul3A_158, %dma_start3A_164] : memref<327680x128xf32, #tpu.memory_space<hbm>> -> memref<80x128xf32, #tpu.memory_space<hbm>>
    %dma_start3A_166 = arith.constant 0 : i32
    %dma_start3A_167 = tpu.memref_slice %arg4[%mul3A_158, %dma_start3A_166] : memref<327680x128xf32, #tpu.memory_space<hbm>> -> memref<80x128xf32, #tpu.memory_space<hbm>>
    %dma_start3A_168 = arith.constant 0 : i32
    %dma_start3A_169 = arith.constant 0 : i32
    %dma_start3A_170 = tpu.memref_slice %arg6[%dma_start3A_159, %dma_start3A_168, %dma_start3A_169] : memref<8x80x128xf32, #tpu.memory_space<vmem>> -> memref<1x80x128xf32, #tpu.memory_space<vmem>>
    %dma_start3A_171 = tpu.memref_squeeze %dma_start3A_170 : memref<1x80x128xf32, #tpu.memory_space<vmem>> -> memref<80x128xf32, #tpu.memory_space<vmem>>
    tpu.enqueue_dma source(%dma_start3A_171 : memref<80x128xf32, #tpu.memory_space<vmem>>) target(%dma_start3A_167 : memref<80x128xf32, #tpu.memory_space<hbm>>) target_semaphore(%arg17 : memref<!tpu.dma_semaphore, #tpu.memory_space<semaphore_mem>>)
    %dma_start3A_172 = arith.constant 7 : i32
    %dma_start3A_173 = arith.constant 7 : i32
    %dma_start3A_174 = arith.constant 0 : i32
    %dma_start3A_175 = arith.constant 0 : i32
    %dma_start3A_176 = tpu.memref_slice %arg6[%dma_start3A_173, %dma_start3A_174, %dma_start3A_175] : memref<8x80x128xf32, #tpu.memory_space<vmem>> -> memref<1x77x128xf32, #tpu.memory_space<vmem>>
    %dma_start3A_177 = tpu.memref_squeeze %dma_start3A_176 : memref<1x77x128xf32, #tpu.memory_space<vmem>> -> memref<77x128xf32, #tpu.memory_space<vmem>>
    %dma_start3A_178 = arith.constant 0 : i32
    %dma_start3A_179 = tpu.memref_slice %arg5[%dma_start3A_172, %dma_start3A_178] : memref<128x77xi32, #tpu.memory_space<vmem>> -> memref<1x77xi32, #tpu.memory_space<vmem>>
    %dma_start3A_180 = tpu.memref_squeeze %dma_start3A_179 : memref<1x77xi32, #tpu.memory_space<vmem>> -> memref<77xi32, #tpu.memory_space<vmem>>
    %dma_start3A_181 = arith.constant 0 : i32
    %dma_start3A_182 = arith.constant 0 : i32
    %dma_start3A_183 = tpu.memref_slice %arg3[%dma_start3A_181, %dma_start3A_182] : memref<100000x128xf32, #tpu.memory_space<hbm>> -> memref<100000x128xf32, #tpu.memory_space<hbm>>
    tpu.enqueue_indirect_dma source(%dma_start3A_183 : memref<100000x128xf32, #tpu.memory_space<hbm>>) target(%dma_start3A_177 : memref<77x128xf32, #tpu.memory_space<vmem>>) offsets(%dma_start3A_180 : memref<77xi32, #tpu.memory_space<vmem>>) semaphore(%arg14 : memref<!tpu.dma_semaphore, #tpu.memory_space<semaphore_mem>>)
    %dma_wait3A_184 = arith.constant 3 : i32
    %dma_wait3A_185 = arith.constant 3 : i32
    %dma_wait3A_186 = arith.constant 0 : i32
    %dma_wait3A_187 = arith.constant 0 : i32
    %dma_wait3A_188 = tpu.memref_slice %arg6[%dma_wait3A_185, %dma_wait3A_186, %dma_wait3A_187] : memref<8x80x128xf32, #tpu.memory_space<vmem>> -> memref<1x77x128xf32, #tpu.memory_space<vmem>>
    %dma_wait3A_189 = tpu.memref_squeeze %dma_wait3A_188 : memref<1x77x128xf32, #tpu.memory_space<vmem>> -> memref<77x128xf32, #tpu.memory_space<vmem>>
    %dma_wait3A_190 = arith.constant 0 : i32
    %dma_wait3A_191 = tpu.memref_slice %arg5[%dma_wait3A_184, %dma_wait3A_190] : memref<128x77xi32, #tpu.memory_space<vmem>> -> memref<1x77xi32, #tpu.memory_space<vmem>>
    %dma_wait3A_192 = tpu.memref_squeeze %dma_wait3A_191 : memref<1x77xi32, #tpu.memory_space<vmem>> -> memref<77xi32, #tpu.memory_space<vmem>>
    %dma_wait3A_193 = arith.constant 0 : i32
    %dma_wait3A_194 = arith.constant 0 : i32
    %dma_wait3A_195 = tpu.memref_slice %arg3[%dma_wait3A_193, %dma_wait3A_194] : memref<100000x128xf32, #tpu.memory_space<hbm>> -> memref<100000x128xf32, #tpu.memory_space<hbm>>
    tpu.wait_indirect_dma semaphore(%arg10 : memref<!tpu.dma_semaphore, #tpu.memory_space<semaphore_mem>>) src(%dma_wait3A_195 : memref<100000x128xf32, #tpu.memory_space<hbm>>) dst(%dma_wait3A_189 : memref<77x128xf32, #tpu.memory_space<vmem>>)
    %add3A_196 = arith.constant 3 : i32
    %add3A_197 = arith.addi %mul3A_2, %add3A_196 : i32
    %mul3A_198 = arith.constant 80 : i32
    %mul3A_199 = arith.muli %add3A_197, %mul3A_198 : i32
    %dma_start3A_200 = arith.constant 3 : i32
    %dma_start3A_201 = arith.constant 0 : i32
    %dma_start3A_202 = arith.constant 0 : i32
    %dma_start3A_203 = tpu.memref_slice %arg6[%dma_start3A_200, %dma_start3A_201, %dma_start3A_202] : memref<8x80x128xf32, #tpu.memory_space<vmem>> -> memref<1x80x128xf32, #tpu.memory_space<vmem>>
    %dma_start3A_204 = tpu.memref_squeeze %dma_start3A_203 : memref<1x80x128xf32, #tpu.memory_space<vmem>> -> memref<80x128xf32, #tpu.memory_space<vmem>>
    %dma_start3A_205 = arith.constant 0 : i32
    %dma_start3A_206 = tpu.memref_slice %arg4[%mul3A_199, %dma_start3A_205] : memref<327680x128xf32, #tpu.memory_space<hbm>> -> memref<80x128xf32, #tpu.memory_space<hbm>>
    %dma_start3A_207 = arith.constant 0 : i32
    %dma_start3A_208 = tpu.memref_slice %arg4[%mul3A_199, %dma_start3A_207] : memref<327680x128xf32, #tpu.memory_space<hbm>> -> memref<80x128xf32, #tpu.memory_space<hbm>>
    %dma_start3A_209 = arith.constant 0 : i32
    %dma_start3A_210 = arith.constant 0 : i32
    %dma_start3A_211 = tpu.memref_slice %arg6[%dma_start3A_200, %dma_start3A_209, %dma_start3A_210] : memref<8x80x128xf32, #tpu.memory_space<vmem>> -> memref<1x80x128xf32, #tpu.memory_space<vmem>>
    %dma_start3A_212 = tpu.memref_squeeze %dma_start3A_211 : memref<1x80x128xf32, #tpu.memory_space<vmem>> -> memref<80x128xf32, #tpu.memory_space<vmem>>
    tpu.enqueue_dma source(%dma_start3A_212 : memref<80x128xf32, #tpu.memory_space<vmem>>) target(%dma_start3A_208 : memref<80x128xf32, #tpu.memory_space<hbm>>) target_semaphore(%arg18 : memref<!tpu.dma_semaphore, #tpu.memory_space<semaphore_mem>>)
    %add3A_213 = arith.constant 0 : i32
    %add3A_214 = arith.addi %mul3A_2, %add3A_213 : i32
    %mul3A_215 = arith.constant 80 : i32
    %mul3A_216 = arith.muli %add3A_214, %mul3A_215 : i32
    %dma_wait3A_217 = arith.constant 0 : i32
    %dma_wait3A_218 = arith.constant 0 : i32
    %dma_wait3A_219 = arith.constant 0 : i32
    %dma_wait3A_220 = tpu.memref_slice %arg6[%dma_wait3A_217, %dma_wait3A_218, %dma_wait3A_219] : memref<8x80x128xf32, #tpu.memory_space<vmem>> -> memref<1x80x128xf32, #tpu.memory_space<vmem>>
    %dma_wait3A_221 = tpu.memref_squeeze %dma_wait3A_220 : memref<1x80x128xf32, #tpu.memory_space<vmem>> -> memref<80x128xf32, #tpu.memory_space<vmem>>
    %dma_wait3A_222 = arith.constant 0 : i32
    %dma_wait3A_223 = tpu.memref_slice %arg4[%mul3A_216, %dma_wait3A_222] : memref<327680x128xf32, #tpu.memory_space<hbm>> -> memref<80x128xf32, #tpu.memory_space<hbm>>
    %dma_wait3A_224 = arith.constant 0 : i32
    %dma_wait3A_225 = tpu.memref_slice %arg4[%mul3A_216, %dma_wait3A_224] : memref<327680x128xf32, #tpu.memory_space<hbm>> -> memref<80x128xf32, #tpu.memory_space<hbm>>
    %dma_wait3A_226 = arith.constant 0 : i32
    %dma_wait3A_227 = arith.constant 0 : i32
    %dma_wait3A_228 = tpu.memref_slice %arg6[%dma_wait3A_217, %dma_wait3A_226, %dma_wait3A_227] : memref<8x80x128xf32, #tpu.memory_space<vmem>> -> memref<1x80x128xf32, #tpu.memory_space<vmem>>
    %dma_wait3A_229 = tpu.memref_squeeze %dma_wait3A_228 : memref<1x80x128xf32, #tpu.memory_space<vmem>> -> memref<80x128xf32, #tpu.memory_space<vmem>>
    tpu.wait_dma2 semaphore(%arg15 : memref<!tpu.dma_semaphore, #tpu.memory_space<semaphore_mem>>) src(%dma_wait3A_229 : memref<80x128xf32, #tpu.memory_space<vmem>>) dst(%dma_wait3A_225 : memref<80x128xf32, #tpu.memory_space<hbm>>)
    %dma_start3A_230 = arith.constant 8 : i32
    %dma_start3A_231 = arith.constant 0 : i32
    %dma_start3A_232 = arith.constant 0 : i32
    %dma_start3A_233 = arith.constant 0 : i32
    %dma_start3A_234 = tpu.memref_slice %arg6[%dma_start3A_231, %dma_start3A_232, %dma_start3A_233] : memref<8x80x128xf32, #tpu.memory_space<vmem>> -> memref<1x77x128xf32, #tpu.memory_space<vmem>>
    %dma_start3A_235 = tpu.memref_squeeze %dma_start3A_234 : memref<1x77x128xf32, #tpu.memory_space<vmem>> -> memref<77x128xf32, #tpu.memory_space<vmem>>
    %dma_start3A_236 = arith.constant 0 : i32
    %dma_start3A_237 = tpu.memref_slice %arg5[%dma_start3A_230, %dma_start3A_236] : memref<128x77xi32, #tpu.memory_space<vmem>> -> memref<1x77xi32, #tpu.memory_space<vmem>>
    %dma_start3A_238 = tpu.memref_squeeze %dma_start3A_237 : memref<1x77xi32, #tpu.memory_space<vmem>> -> memref<77xi32, #tpu.memory_space<vmem>>
    %dma_start3A_239 = arith.constant 0 : i32
    %dma_start3A_240 = arith.constant 0 : i32
    %dma_start3A_241 = tpu.memref_slice %arg3[%dma_start3A_239, %dma_start3A_240] : memref<100000x128xf32, #tpu.memory_space<hbm>> -> memref<100000x128xf32, #tpu.memory_space<hbm>>
    tpu.enqueue_indirect_dma source(%dma_start3A_241 : memref<100000x128xf32, #tpu.memory_space<hbm>>) target(%dma_start3A_235 : memref<77x128xf32, #tpu.memory_space<vmem>>) offsets(%dma_start3A_238 : memref<77xi32, #tpu.memory_space<vmem>>) semaphore(%arg7 : memref<!tpu.dma_semaphore, #tpu.memory_space<semaphore_mem>>)
    %dma_wait3A_242 = arith.constant 4 : i32
    %dma_wait3A_243 = arith.constant 4 : i32
    %dma_wait3A_244 = arith.constant 0 : i32
    %dma_wait3A_245 = arith.constant 0 : i32
    %dma_wait3A_246 = tpu.memref_slice %arg6[%dma_wait3A_243, %dma_wait3A_244, %dma_wait3A_245] : memref<8x80x128xf32, #tpu.memory_space<vmem>> -> memref<1x77x128xf32, #tpu.memory_space<vmem>>
    %dma_wait3A_247 = tpu.memref_squeeze %dma_wait3A_246 : memref<1x77x128xf32, #tpu.memory_space<vmem>> -> memref<77x128xf32, #tpu.memory_space<vmem>>
    %dma_wait3A_248 = arith.constant 0 : i32
    %dma_wait3A_249 = tpu.memref_slice %arg5[%dma_wait3A_242, %dma_wait3A_248] : memref<128x77xi32, #tpu.memory_space<vmem>> -> memref<1x77xi32, #tpu.memory_space<vmem>>
    %dma_wait3A_250 = tpu.memref_squeeze %dma_wait3A_249 : memref<1x77xi32, #tpu.memory_space<vmem>> -> memref<77xi32, #tpu.memory_space<vmem>>
    %dma_wait3A_251 = arith.constant 0 : i32
    %dma_wait3A_252 = arith.constant 0 : i32
    %dma_wait3A_253 = tpu.memref_slice %arg3[%dma_wait3A_251, %dma_wait3A_252] : memref<100000x128xf32, #tpu.memory_space<hbm>> -> memref<100000x128xf32, #tpu.memory_space<hbm>>
    tpu.wait_indirect_dma semaphore(%arg11 : memref<!tpu.dma_semaphore, #tpu.memory_space<semaphore_mem>>) src(%dma_wait3A_253 : memref<100000x128xf32, #tpu.memory_space<hbm>>) dst(%dma_wait3A_247 : memref<77x128xf32, #tpu.memory_space<vmem>>)
    %add3A_254 = arith.constant 4 : i32
    %add3A_255 = arith.addi %mul3A_2, %add3A_254 : i32
    %mul3A_256 = arith.constant 80 : i32
    %mul3A_257 = arith.muli %add3A_255, %mul3A_256 : i32
    %dma_start3A_258 = arith.constant 4 : i32
    %dma_start3A_259 = arith.constant 0 : i32
    %dma_start3A_260 = arith.constant 0 : i32
    %dma_start3A_261 = tpu.memref_slice %arg6[%dma_start3A_258, %dma_start3A_259, %dma_start3A_260] : memref<8x80x128xf32, #tpu.memory_space<vmem>> -> memref<1x80x128xf32, #tpu.memory_space<vmem>>
    %dma_start3A_262 = tpu.memref_squeeze %dma_start3A_261 : memref<1x80x128xf32, #tpu.memory_space<vmem>> -> memref<80x128xf32, #tpu.memory_space<vmem>>
    %dma_start3A_263 = arith.constant 0 : i32
    %dma_start3A_264 = tpu.memref_slice %arg4[%mul3A_257, %dma_start3A_263] : memref<327680x128xf32, #tpu.memory_space<hbm>> -> memref<80x128xf32, #tpu.memory_space<hbm>>
    %dma_start3A_265 = arith.constant 0 : i32
    %dma_start3A_266 = tpu.memref_slice %arg4[%mul3A_257, %dma_start3A_265] : memref<327680x128xf32, #tpu.memory_space<hbm>> -> memref<80x128xf32, #tpu.memory_space<hbm>>
    %dma_start3A_267 = arith.constant 0 : i32
    %dma_start3A_268 = arith.constant 0 : i32
    %dma_start3A_269 = tpu.memref_slice %arg6[%dma_start3A_258, %dma_start3A_267, %dma_start3A_268] : memref<8x80x128xf32, #tpu.memory_space<vmem>> -> memref<1x80x128xf32, #tpu.memory_space<vmem>>
    %dma_start3A_270 = tpu.memref_squeeze %dma_start3A_269 : memref<1x80x128xf32, #tpu.memory_space<vmem>> -> memref<80x128xf32, #tpu.memory_space<vmem>>
    tpu.enqueue_dma source(%dma_start3A_270 : memref<80x128xf32, #tpu.memory_space<vmem>>) target(%dma_start3A_266 : memref<80x128xf32, #tpu.memory_space<hbm>>) target_semaphore(%arg19 : memref<!tpu.dma_semaphore, #tpu.memory_space<semaphore_mem>>)
    %add3A_271 = arith.constant 1 : i32
    %add3A_272 = arith.addi %mul3A_2, %add3A_271 : i32
    %mul3A_273 = arith.constant 80 : i32
    %mul3A_274 = arith.muli %add3A_272, %mul3A_273 : i32
    %dma_wait3A_275 = arith.constant 1 : i32
    %dma_wait3A_276 = arith.constant 0 : i32
    %dma_wait3A_277 = arith.constant 0 : i32
    %dma_wait3A_278 = tpu.memref_slice %arg6[%dma_wait3A_275, %dma_wait3A_276, %dma_wait3A_277] : memref<8x80x128xf32, #tpu.memory_space<vmem>> -> memref<1x80x128xf32, #tpu.memory_space<vmem>>
    %dma_wait3A_279 = tpu.memref_squeeze %dma_wait3A_278 : memref<1x80x128xf32, #tpu.memory_space<vmem>> -> memref<80x128xf32, #tpu.memory_space<vmem>>
    %dma_wait3A_280 = arith.constant 0 : i32
    %dma_wait3A_281 = tpu.memref_slice %arg4[%mul3A_274, %dma_wait3A_280] : memref<327680x128xf32, #tpu.memory_space<hbm>> -> memref<80x128xf32, #tpu.memory_space<hbm>>
    %dma_wait3A_282 = arith.constant 0 : i32
    %dma_wait3A_283 = tpu.memref_slice %arg4[%mul3A_274, %dma_wait3A_282] : memref<327680x128xf32, #tpu.memory_space<hbm>> -> memref<80x128xf32, #tpu.memory_space<hbm>>
    %dma_wait3A_284 = arith.constant 0 : i32
    %dma_wait3A_285 = arith.constant 0 : i32
    %dma_wait3A_286 = tpu.memref_slice %arg6[%dma_wait3A_275, %dma_wait3A_284, %dma_wait3A_285] : memref<8x80x128xf32, #tpu.memory_space<vmem>> -> memref<1x80x128xf32, #tpu.memory_space<vmem>>
    %dma_wait3A_287 = tpu.memref_squeeze %dma_wait3A_286 : memref<1x80x128xf32, #tpu.memory_space<vmem>> -> memref<80x128xf32, #tpu.memory_space<vmem>>
    tpu.wait_dma2 semaphore(%arg16 : memref<!tpu.dma_semaphore, #tpu.memory_space<semaphore_mem>>) src(%dma_wait3A_287 : memref<80x128xf32, #tpu.memory_space<vmem>>) dst(%dma_wait3A_283 : memref<80x128xf32, #tpu.memory_space<hbm>>)
    %dma_start3A_288 = arith.constant 9 : i32
    %dma_start3A_289 = arith.constant 1 : i32
    %dma_start3A_290 = arith.constant 0 : i32
    %dma_start3A_291 = arith.constant 0 : i32
    %dma_start3A_292 = tpu.memref_slice %arg6[%dma_start3A_289, %dma_start3A_290, %dma_start3A_291] : memref<8x80x128xf32, #tpu.memory_space<vmem>> -> memref<1x77x128xf32, #tpu.memory_space<vmem>>
    %dma_start3A_293 = tpu.memref_squeeze %dma_start3A_292 : memref<1x77x128xf32, #tpu.memory_space<vmem>> -> memref<77x128xf32, #tpu.memory_space<vmem>>
    %dma_start3A_294 = arith.constant 0 : i32
    %dma_start3A_295 = tpu.memref_slice %arg5[%dma_start3A_288, %dma_start3A_294] : memref<128x77xi32, #tpu.memory_space<vmem>> -> memref<1x77xi32, #tpu.memory_space<vmem>>
    %dma_start3A_296 = tpu.memref_squeeze %dma_start3A_295 : memref<1x77xi32, #tpu.memory_space<vmem>> -> memref<77xi32, #tpu.memory_space<vmem>>
    %dma_start3A_297 = arith.constant 0 : i32
    %dma_start3A_298 = arith.constant 0 : i32
    %dma_start3A_299 = tpu.memref_slice %arg3[%dma_start3A_297, %dma_start3A_298] : memref<100000x128xf32, #tpu.memory_space<hbm>> -> memref<100000x128xf32, #tpu.memory_space<hbm>>
    tpu.enqueue_indirect_dma source(%dma_start3A_299 : memref<100000x128xf32, #tpu.memory_space<hbm>>) target(%dma_start3A_293 : memref<77x128xf32, #tpu.memory_space<vmem>>) offsets(%dma_start3A_296 : memref<77xi32, #tpu.memory_space<vmem>>) semaphore(%arg8 : memref<!tpu.dma_semaphore, #tpu.memory_space<semaphore_mem>>)
    %dma_wait3A_300 = arith.constant 5 : i32
    %dma_wait3A_301 = arith.constant 5 : i32
    %dma_wait3A_302 = arith.constant 0 : i32
    %dma_wait3A_303 = arith.constant 0 : i32
    %dma_wait3A_304 = tpu.memref_slice %arg6[%dma_wait3A_301, %dma_wait3A_302, %dma_wait3A_303] : memref<8x80x128xf32, #tpu.memory_space<vmem>> -> memref<1x77x128xf32, #tpu.memory_space<vmem>>
    %dma_wait3A_305 = tpu.memref_squeeze %dma_wait3A_304 : memref<1x77x128xf32, #tpu.memory_space<vmem>> -> memref<77x128xf32, #tpu.memory_space<vmem>>
    %dma_wait3A_306 = arith.constant 0 : i32
    %dma_wait3A_307 = tpu.memref_slice %arg5[%dma_wait3A_300, %dma_wait3A_306] : memref<128x77xi32, #tpu.memory_space<vmem>> -> memref<1x77xi32, #tpu.memory_space<vmem>>
    %dma_wait3A_308 = tpu.memref_squeeze %dma_wait3A_307 : memref<1x77xi32, #tpu.memory_space<vmem>> -> memref<77xi32, #tpu.memory_space<vmem>>
    %dma_wait3A_309 = arith.constant 0 : i32
    %dma_wait3A_310 = arith.constant 0 : i32
    %dma_wait3A_311 = tpu.memref_slice %arg3[%dma_wait3A_309, %dma_wait3A_310] : memref<100000x128xf32, #tpu.memory_space<hbm>> -> memref<100000x128xf32, #tpu.memory_space<hbm>>
    tpu.wait_indirect_dma semaphore(%arg12 : memref<!tpu.dma_semaphore, #tpu.memory_space<semaphore_mem>>) src(%dma_wait3A_311 : memref<100000x128xf32, #tpu.memory_space<hbm>>) dst(%dma_wait3A_305 : memref<77x128xf32, #tpu.memory_space<vmem>>)
    %add3A_312 = arith.constant 5 : i32
    %add3A_313 = arith.addi %mul3A_2, %add3A_312 : i32
    %mul3A_314 = arith.constant 80 : i32
    %mul3A_315 = arith.muli %add3A_313, %mul3A_314 : i32
    %dma_start3A_316 = arith.constant 5 : i32
    %dma_start3A_317 = arith.constant 0 : i32
    %dma_start3A_318 = arith.constant 0 : i32
    %dma_start3A_319 = tpu.memref_slice %arg6[%dma_start3A_316, %dma_start3A_317, %dma_start3A_318] : memref<8x80x128xf32, #tpu.memory_space<vmem>> -> memref<1x80x128xf32, #tpu.memory_space<vmem>>
    %dma_start3A_320 = tpu.memref_squeeze %dma_start3A_319 : memref<1x80x128xf32, #tpu.memory_space<vmem>> -> memref<80x128xf32, #tpu.memory_space<vmem>>
    %dma_start3A_321 = arith.constant 0 : i32
    %dma_start3A_322 = tpu.memref_slice %arg4[%mul3A_315, %dma_start3A_321] : memref<327680x128xf32, #tpu.memory_space<hbm>> -> memref<80x128xf32, #tpu.memory_space<hbm>>
    %dma_start3A_323 = arith.constant 0 : i32
    %dma_start3A_324 = tpu.memref_slice %arg4[%mul3A_315, %dma_start3A_323] : memref<327680x128xf32, #tpu.memory_space<hbm>> -> memref<80x128xf32, #tpu.memory_space<hbm>>
    %dma_start3A_325 = arith.constant 0 : i32
    %dma_start3A_326 = arith.constant 0 : i32
    %dma_start3A_327 = tpu.memref_slice %arg6[%dma_start3A_316, %dma_start3A_325, %dma_start3A_326] : memref<8x80x128xf32, #tpu.memory_space<vmem>> -> memref<1x80x128xf32, #tpu.memory_space<vmem>>
    %dma_start3A_328 = tpu.memref_squeeze %dma_start3A_327 : memref<1x80x128xf32, #tpu.memory_space<vmem>> -> memref<80x128xf32, #tpu.memory_space<vmem>>
    tpu.enqueue_dma source(%dma_start3A_328 : memref<80x128xf32, #tpu.memory_space<vmem>>) target(%dma_start3A_324 : memref<80x128xf32, #tpu.memory_space<hbm>>) target_semaphore(%arg20 : memref<!tpu.dma_semaphore, #tpu.memory_space<semaphore_mem>>)
    %add3A_329 = arith.constant 2 : i32
    %add3A_330 = arith.addi %mul3A_2, %add3A_329 : i32
    %mul3A_331 = arith.constant 80 : i32
    %mul3A_332 = arith.muli %add3A_330, %mul3A_331 : i32
    %dma_wait3A_333 = arith.constant 2 : i32
    %dma_wait3A_334 = arith.constant 0 : i32
    %dma_wait3A_335 = arith.constant 0 : i32
    %dma_wait3A_336 = tpu.memref_slice %arg6[%dma_wait3A_333, %dma_wait3A_334, %dma_wait3A_335] : memref<8x80x128xf32, #tpu.memory_space<vmem>> -> memref<1x80x128xf32, #tpu.memory_space<vmem>>
    %dma_wait3A_337 = tpu.memref_squeeze %dma_wait3A_336 : memref<1x80x128xf32, #tpu.memory_space<vmem>> -> memref<80x128xf32, #tpu.memory_space<vmem>>
    %dma_wait3A_338 = arith.constant 0 : i32
    %dma_wait3A_339 = tpu.memref_slice %arg4[%mul3A_332, %dma_wait3A_338] : memref<327680x128xf32, #tpu.memory_space<hbm>> -> memref<80x128xf32, #tpu.memory_space<hbm>>
    %dma_wait3A_340 = arith.constant 0 : i32
    %dma_wait3A_341 = tpu.memref_slice %arg4[%mul3A_332, %dma_wait3A_340] : memref<327680x128xf32, #tpu.memory_space<hbm>> -> memref<80x128xf32, #tpu.memory_space<hbm>>
    %dma_wait3A_342 = arith.constant 0 : i32
    %dma_wait3A_343 = arith.constant 0 : i32
    %dma_wait3A_344 = tpu.memref_slice %arg6[%dma_wait3A_333, %dma_wait3A_342, %dma_wait3A_343] : memref<8x80x128xf32, #tpu.memory_space<vmem>> -> memref<1x80x128xf32, #tpu.memory_space<vmem>>
    %dma_wait3A_345 = tpu.memref_squeeze %dma_wait3A_344 : memref<1x80x128xf32, #tpu.memory_space<vmem>> -> memref<80x128xf32, #tpu.memory_space<vmem>>
    tpu.wait_dma2 semaphore(%arg17 : memref<!tpu.dma_semaphore, #tpu.memory_space<semaphore_mem>>) src(%dma_wait3A_345 : memref<80x128xf32, #tpu.memory_space<vmem>>) dst(%dma_wait3A_341 : memref<80x128xf32, #tpu.memory_space<hbm>>)
    %dma_start3A_346 = arith.constant 10 : i32
    %dma_start3A_347 = arith.constant 2 : i32
    %dma_start3A_348 = arith.constant 0 : i32
    %dma_start3A_349 = arith.constant 0 : i32
    %dma_start3A_350 = tpu.memref_slice %arg6[%dma_start3A_347, %dma_start3A_348, %dma_start3A_349] : memref<8x80x128xf32, #tpu.memory_space<vmem>> -> memref<1x77x128xf32, #tpu.memory_space<vmem>>
    %dma_start3A_351 = tpu.memref_squeeze %dma_start3A_350 : memref<1x77x128xf32, #tpu.memory_space<vmem>> -> memref<77x128xf32, #tpu.memory_space<vmem>>
    %dma_start3A_352 = arith.constant 0 : i32
    %dma_start3A_353 = tpu.memref_slice %arg5[%dma_start3A_346, %dma_start3A_352] : memref<128x77xi32, #tpu.memory_space<vmem>> -> memref<1x77xi32, #tpu.memory_space<vmem>>
    %dma_start3A_354 = tpu.memref_squeeze %dma_start3A_353 : memref<1x77xi32, #tpu.memory_space<vmem>> -> memref<77xi32, #tpu.memory_space<vmem>>
    %dma_start3A_355 = arith.constant 0 : i32
    %dma_start3A_356 = arith.constant 0 : i32
    %dma_start3A_357 = tpu.memref_slice %arg3[%dma_start3A_355, %dma_start3A_356] : memref<100000x128xf32, #tpu.memory_space<hbm>> -> memref<100000x128xf32, #tpu.memory_space<hbm>>
    tpu.enqueue_indirect_dma source(%dma_start3A_357 : memref<100000x128xf32, #tpu.memory_space<hbm>>) target(%dma_start3A_351 : memref<77x128xf32, #tpu.memory_space<vmem>>) offsets(%dma_start3A_354 : memref<77xi32, #tpu.memory_space<vmem>>) semaphore(%arg9 : memref<!tpu.dma_semaphore, #tpu.memory_space<semaphore_mem>>)
    %dma_wait3A_358 = arith.constant 6 : i32
    %dma_wait3A_359 = arith.constant 6 : i32
    %dma_wait3A_360 = arith.constant 0 : i32
    %dma_wait3A_361 = arith.constant 0 : i32
    %dma_wait3A_362 = tpu.memref_slice %arg6[%dma_wait3A_359, %dma_wait3A_360, %dma_wait3A_361] : memref<8x80x128xf32, #tpu.memory_space<vmem>> -> memref<1x77x128xf32, #tpu.memory_space<vmem>>
    %dma_wait3A_363 = tpu.memref_squeeze %dma_wait3A_362 : memref<1x77x128xf32, #tpu.memory_space<vmem>> -> memref<77x128xf32, #tpu.memory_space<vmem>>
    %dma_wait3A_364 = arith.constant 0 : i32
    %dma_wait3A_365 = tpu.memref_slice %arg5[%dma_wait3A_358, %dma_wait3A_364] : memref<128x77xi32, #tpu.memory_space<vmem>> -> memref<1x77xi32, #tpu.memory_space<vmem>>
    %dma_wait3A_366 = tpu.memref_squeeze %dma_wait3A_365 : memref<1x77xi32, #tpu.memory_space<vmem>> -> memref<77xi32, #tpu.memory_space<vmem>>
    %dma_wait3A_367 = arith.constant 0 : i32
    %dma_wait3A_368 = arith.constant 0 : i32
    %dma_wait3A_369 = tpu.memref_slice %arg3[%dma_wait3A_367, %dma_wait3A_368] : memref<100000x128xf32, #tpu.memory_space<hbm>> -> memref<100000x128xf32, #tpu.memory_space<hbm>>
    tpu.wait_indirect_dma semaphore(%arg13 : memref<!tpu.dma_semaphore, #tpu.memory_space<semaphore_mem>>) src(%dma_wait3A_369 : memref<100000x128xf32, #tpu.memory_space<hbm>>) dst(%dma_wait3A_363 : memref<77x128xf32, #tpu.memory_space<vmem>>)
    %add3A_370 = arith.constant 6 : i32
    %add3A_371 = arith.addi %mul3A_2, %add3A_370 : i32
    %mul3A_372 = arith.constant 80 : i32
    %mul3A_373 = arith.muli %add3A_371, %mul3A_372 : i32
    %dma_start3A_374 = arith.constant 6 : i32
    %dma_start3A_375 = arith.constant 0 : i32
    %dma_start3A_376 = arith.constant 0 : i32
    %dma_start3A_377 = tpu.memref_slice %arg6[%dma_start3A_374, %dma_start3A_375, %dma_start3A_376] : memref<8x80x128xf32, #tpu.memory_space<vmem>> -> memref<1x80x128xf32, #tpu.memory_space<vmem>>
    %dma_start3A_378 = tpu.memref_squeeze %dma_start3A_377 : memref<1x80x128xf32, #tpu.memory_space<vmem>> -> memref<80x128xf32, #tpu.memory_space<vmem>>
    %dma_start3A_379 = arith.constant 0 : i32
    %dma_start3A_380 = tpu.memref_slice %arg4[%mul3A_373, %dma_start3A_379] : memref<327680x128xf32, #tpu.memory_space<hbm>> -> memref<80x128xf32, #tpu.memory_space<hbm>>
    %dma_start3A_381 = arith.constant 0 : i32
    %dma_start3A_382 = tpu.memref_slice %arg4[%mul3A_373, %dma_start3A_381] : memref<327680x128xf32, #tpu.memory_space<hbm>> -> memref<80x128xf32, #tpu.memory_space<hbm>>
    %dma_start3A_383 = arith.constant 0 : i32
    %dma_start3A_384 = arith.constant 0 : i32
    %dma_start3A_385 = tpu.memref_slice %arg6[%dma_start3A_374, %dma_start3A_383, %dma_start3A_384] : memref<8x80x128xf32, #tpu.memory_space<vmem>> -> memref<1x80x128xf32, #tpu.memory_space<vmem>>
    %dma_start3A_386 = tpu.memref_squeeze %dma_start3A_385 : memref<1x80x128xf32, #tpu.memory_space<vmem>> -> memref<80x128xf32, #tpu.memory_space<vmem>>
    tpu.enqueue_dma source(%dma_start3A_386 : memref<80x128xf32, #tpu.memory_space<vmem>>) target(%dma_start3A_382 : memref<80x128xf32, #tpu.memory_space<hbm>>) target_semaphore(%arg21 : memref<!tpu.dma_semaphore, #tpu.memory_space<semaphore_mem>>)
    %add3A_387 = arith.constant 3 : i32
    %add3A_388 = arith.addi %mul3A_2, %add3A_387 : i32
    %mul3A_389 = arith.constant 80 : i32
    %mul3A_390 = arith.muli %add3A_388, %mul3A_389 : i32
    %dma_wait3A_391 = arith.constant 3 : i32
    %dma_wait3A_392 = arith.constant 0 : i32
    %dma_wait3A_393 = arith.constant 0 : i32
    %dma_wait3A_394 = tpu.memref_slice %arg6[%dma_wait3A_391, %dma_wait3A_392, %dma_wait3A_393] : memref<8x80x128xf32, #tpu.memory_space<vmem>> -> memref<1x80x128xf32, #tpu.memory_space<vmem>>
    %dma_wait3A_395 = tpu.memref_squeeze %dma_wait3A_394 : memref<1x80x128xf32, #tpu.memory_space<vmem>> -> memref<80x128xf32, #tpu.memory_space<vmem>>
    %dma_wait3A_396 = arith.constant 0 : i32
    %dma_wait3A_397 = tpu.memref_slice %arg4[%mul3A_390, %dma_wait3A_396] : memref<327680x128xf32, #tpu.memory_space<hbm>> -> memref<80x128xf32, #tpu.memory_space<hbm>>
    %dma_wait3A_398 = arith.constant 0 : i32
    %dma_wait3A_399 = tpu.memref_slice %arg4[%mul3A_390, %dma_wait3A_398] : memref<327680x128xf32, #tpu.memory_space<hbm>> -> memref<80x128xf32, #tpu.memory_space<hbm>>
    %dma_wait3A_400 = arith.constant 0 : i32
    %dma_wait3A_401 = arith.constant 0 : i32
    %dma_wait3A_402 = tpu.memref_slice %arg6[%dma_wait3A_391, %dma_wait3A_400, %dma_wait3A_401] : memref<8x80x128xf32, #tpu.memory_space<vmem>> -> memref<1x80x128xf32, #tpu.memory_space<vmem>>
    %dma_wait3A_403 = tpu.memref_squeeze %dma_wait3A_402 : memref<1x80x128xf32, #tpu.memory_space<vmem>> -> memref<80x128xf32, #tpu.memory_space<vmem>>
    tpu.wait_dma2 semaphore(%arg18 : memref<!tpu.dma_semaphore, #tpu.memory_space<semaphore_mem>>) src(%dma_wait3A_403 : memref<80x128xf32, #tpu.memory_space<vmem>>) dst(%dma_wait3A_399 : memref<80x128xf32, #tpu.memory_space<hbm>>)
    %dma_start3A_404 = arith.constant 11 : i32
    %dma_start3A_405 = arith.constant 3 : i32
    %dma_start3A_406 = arith.constant 0 : i32
    %dma_start3A_407 = arith.constant 0 : i32
    %dma_start3A_408 = tpu.memref_slice %arg6[%dma_start3A_405, %dma_start3A_406, %dma_start3A_407] : memref<8x80x128xf32, #tpu.memory_space<vmem>> -> memref<1x77x128xf32, #tpu.memory_space<vmem>>
    %dma_start3A_409 = tpu.memref_squeeze %dma_start3A_408 : memref<1x77x128xf32, #tpu.memory_space<vmem>> -> memref<77x128xf32, #tpu.memory_space<vmem>>
    %dma_start3A_410 = arith.constant 0 : i32
    %dma_start3A_411 = tpu.memref_slice %arg5[%dma_start3A_404, %dma_start3A_410] : memref<128x77xi32, #tpu.memory_space<vmem>> -> memref<1x77xi32, #tpu.memory_space<vmem>>
    %dma_start3A_412 = tpu.memref_squeeze %dma_start3A_411 : memref<1x77xi32, #tpu.memory_space<vmem>> -> memref<77xi32, #tpu.memory_space<vmem>>
    %dma_start3A_413 = arith.constant 0 : i32
    %dma_start3A_414 = arith.constant 0 : i32
    %dma_start3A_415 = tpu.memref_slice %arg3[%dma_start3A_413, %dma_start3A_414] : memref<100000x128xf32, #tpu.memory_space<hbm>> -> memref<100000x128xf32, #tpu.memory_space<hbm>>
    tpu.enqueue_indirect_dma source(%dma_start3A_415 : memref<100000x128xf32, #tpu.memory_space<hbm>>) target(%dma_start3A_409 : memref<77x128xf32, #tpu.memory_space<vmem>>) offsets(%dma_start3A_412 : memref<77xi32, #tpu.memory_space<vmem>>) semaphore(%arg10 : memref<!tpu.dma_semaphore, #tpu.memory_space<semaphore_mem>>)
    %dma_wait3A_416 = arith.constant 7 : i32
    %dma_wait3A_417 = arith.constant 7 : i32
    %dma_wait3A_418 = arith.constant 0 : i32
    %dma_wait3A_419 = arith.constant 0 : i32
    %dma_wait3A_420 = tpu.memref_slice %arg6[%dma_wait3A_417, %dma_wait3A_418, %dma_wait3A_419] : memref<8x80x128xf32, #tpu.memory_space<vmem>> -> memref<1x77x128xf32, #tpu.memory_space<vmem>>
    %dma_wait3A_421 = tpu.memref_squeeze %dma_wait3A_420 : memref<1x77x128xf32, #tpu.memory_space<vmem>> -> memref<77x128xf32, #tpu.memory_space<vmem>>
    %dma_wait3A_422 = arith.constant 0 : i32
    %dma_wait3A_423 = tpu.memref_slice %arg5[%dma_wait3A_416, %dma_wait3A_422] : memref<128x77xi32, #tpu.memory_space<vmem>> -> memref<1x77xi32, #tpu.memory_space<vmem>>
    %dma_wait3A_424 = tpu.memref_squeeze %dma_wait3A_423 : memref<1x77xi32, #tpu.memory_space<vmem>> -> memref<77xi32, #tpu.memory_space<vmem>>
    %dma_wait3A_425 = arith.constant 0 : i32
    %dma_wait3A_426 = arith.constant 0 : i32
    %dma_wait3A_427 = tpu.memref_slice %arg3[%dma_wait3A_425, %dma_wait3A_426] : memref<100000x128xf32, #tpu.memory_space<hbm>> -> memref<100000x128xf32, #tpu.memory_space<hbm>>
    tpu.wait_indirect_dma semaphore(%arg14 : memref<!tpu.dma_semaphore, #tpu.memory_space<semaphore_mem>>) src(%dma_wait3A_427 : memref<100000x128xf32, #tpu.memory_space<hbm>>) dst(%dma_wait3A_421 : memref<77x128xf32, #tpu.memory_space<vmem>>)
    %add3A_428 = arith.constant 7 : i32
    %add3A_429 = arith.addi %mul3A_2, %add3A_428 : i32
    %mul3A_430 = arith.constant 80 : i32
    %mul3A_431 = arith.muli %add3A_429, %mul3A_430 : i32
    %dma_start3A_432 = arith.constant 7 : i32
    %dma_start3A_433 = arith.constant 0 : i32
    %dma_start3A_434 = arith.constant 0 : i32
    %dma_start3A_435 = tpu.memref_slice %arg6[%dma_start3A_432, %dma_start3A_433, %dma_start3A_434] : memref<8x80x128xf32, #tpu.memory_space<vmem>> -> memref<1x80x128xf32, #tpu.memory_space<vmem>>
    %dma_start3A_436 = tpu.memref_squeeze %dma_start3A_435 : memref<1x80x128xf32, #tpu.memory_space<vmem>> -> memref<80x128xf32, #tpu.memory_space<vmem>>
    %dma_start3A_437 = arith.constant 0 : i32
    %dma_start3A_438 = tpu.memref_slice %arg4[%mul3A_431, %dma_start3A_437] : memref<327680x128xf32, #tpu.memory_space<hbm>> -> memref<80x128xf32, #tpu.memory_space<hbm>>
    %dma_start3A_439 = arith.constant 0 : i32
    %dma_start3A_440 = tpu.memref_slice %arg4[%mul3A_431, %dma_start3A_439] : memref<327680x128xf32, #tpu.memory_space<hbm>> -> memref<80x128xf32, #tpu.memory_space<hbm>>
    %dma_start3A_441 = arith.constant 0 : i32
    %dma_start3A_442 = arith.constant 0 : i32
    %dma_start3A_443 = tpu.memref_slice %arg6[%dma_start3A_432, %dma_start3A_441, %dma_start3A_442] : memref<8x80x128xf32, #tpu.memory_space<vmem>> -> memref<1x80x128xf32, #tpu.memory_space<vmem>>
    %dma_start3A_444 = tpu.memref_squeeze %dma_start3A_443 : memref<1x80x128xf32, #tpu.memory_space<vmem>> -> memref<80x128xf32, #tpu.memory_space<vmem>>
    tpu.enqueue_dma source(%dma_start3A_444 : memref<80x128xf32, #tpu.memory_space<vmem>>) target(%dma_start3A_440 : memref<80x128xf32, #tpu.memory_space<hbm>>) target_semaphore(%arg22 : memref<!tpu.dma_semaphore, #tpu.memory_space<semaphore_mem>>)
    %scan3A = arith.constant 0 : i32
    %scan3A_445 = arith.constant 1 : i32
    %scan3A_446 = arith.constant 14 : i32
    %scan3A_447 = arith.addi %scan3A_445, %scan3A_446 : i32
    %scan3A_448 = arith.constant 1 : i32
    scf.for %scan3A_934 = %scan3A_445 to %scan3A_447 step %scan3A_448  : i32 {
      %mul3A_935 = arith.constant 8 : i32
      %mul3A_936 = arith.muli %scan3A_934, %mul3A_935 : i32
      %add3A_937 = arith.constant 0 : i32
      %add3A_938 = arith.addi %mul3A_936, %add3A_937 : i32
      %sub3A = arith.constant 4 : i32
      %sub3A_939 = arith.subi %add3A_938, %sub3A : i32
      %add3A_940 = arith.addi %mul3A_2, %sub3A_939 : i32
      %mul3A_941 = arith.constant 80 : i32
      %mul3A_942 = arith.muli %add3A_940, %mul3A_941 : i32
      %dma_wait3A_943 = arith.constant 4 : i32
      %dma_wait3A_944 = arith.constant 0 : i32
      %dma_wait3A_945 = arith.constant 0 : i32
      %dma_wait3A_946 = tpu.memref_slice %arg6[%dma_wait3A_943, %dma_wait3A_944, %dma_wait3A_945] : memref<8x80x128xf32, #tpu.memory_space<vmem>> -> memref<1x80x128xf32, #tpu.memory_space<vmem>>
      %dma_wait3A_947 = tpu.memref_squeeze %dma_wait3A_946 : memref<1x80x128xf32, #tpu.memory_space<vmem>> -> memref<80x128xf32, #tpu.memory_space<vmem>>
      %dma_wait3A_948 = arith.constant 0 : i32
      %dma_wait3A_949 = tpu.memref_slice %arg4[%mul3A_942, %dma_wait3A_948] : memref<327680x128xf32, #tpu.memory_space<hbm>> -> memref<80x128xf32, #tpu.memory_space<hbm>>
      %dma_wait3A_950 = arith.constant 0 : i32
      %dma_wait3A_951 = tpu.memref_slice %arg4[%mul3A_942, %dma_wait3A_950] : memref<327680x128xf32, #tpu.memory_space<hbm>> -> memref<80x128xf32, #tpu.memory_space<hbm>>
      %dma_wait3A_952 = arith.constant 0 : i32
      %dma_wait3A_953 = arith.constant 0 : i32
      %dma_wait3A_954 = tpu.memref_slice %arg6[%dma_wait3A_943, %dma_wait3A_952, %dma_wait3A_953] : memref<8x80x128xf32, #tpu.memory_space<vmem>> -> memref<1x80x128xf32, #tpu.memory_space<vmem>>
      %dma_wait3A_955 = tpu.memref_squeeze %dma_wait3A_954 : memref<1x80x128xf32, #tpu.memory_space<vmem>> -> memref<80x128xf32, #tpu.memory_space<vmem>>
      tpu.wait_dma2 semaphore(%arg19 : memref<!tpu.dma_semaphore, #tpu.memory_space<semaphore_mem>>) src(%dma_wait3A_955 : memref<80x128xf32, #tpu.memory_space<vmem>>) dst(%dma_wait3A_951 : memref<80x128xf32, #tpu.memory_space<hbm>>)
      %add3A_956 = arith.constant 4 : i32
      %add3A_957 = arith.addi %add3A_938, %add3A_956 : i32
      %dma_start3A_958 = arith.constant 4 : i32
      %dma_start3A_959 = arith.constant 0 : i32
      %dma_start3A_960 = arith.constant 0 : i32
      %dma_start3A_961 = tpu.memref_slice %arg6[%dma_start3A_958, %dma_start3A_959, %dma_start3A_960] : memref<8x80x128xf32, #tpu.memory_space<vmem>> -> memref<1x77x128xf32, #tpu.memory_space<vmem>>
      %dma_start3A_962 = tpu.memref_squeeze %dma_start3A_961 : memref<1x77x128xf32, #tpu.memory_space<vmem>> -> memref<77x128xf32, #tpu.memory_space<vmem>>
      %dma_start3A_963 = arith.constant 0 : i32
      %dma_start3A_964 = tpu.memref_slice %arg5[%add3A_957, %dma_start3A_963] : memref<128x77xi32, #tpu.memory_space<vmem>> -> memref<1x77xi32, #tpu.memory_space<vmem>>
      %dma_start3A_965 = tpu.memref_squeeze %dma_start3A_964 : memref<1x77xi32, #tpu.memory_space<vmem>> -> memref<77xi32, #tpu.memory_space<vmem>>
      %dma_start3A_966 = arith.constant 0 : i32
      %dma_start3A_967 = arith.constant 0 : i32
      %dma_start3A_968 = tpu.memref_slice %arg3[%dma_start3A_966, %dma_start3A_967] : memref<100000x128xf32, #tpu.memory_space<hbm>> -> memref<100000x128xf32, #tpu.memory_space<hbm>>
      tpu.enqueue_indirect_dma source(%dma_start3A_968 : memref<100000x128xf32, #tpu.memory_space<hbm>>) target(%dma_start3A_962 : memref<77x128xf32, #tpu.memory_space<vmem>>) offsets(%dma_start3A_965 : memref<77xi32, #tpu.memory_space<vmem>>) semaphore(%arg11 : memref<!tpu.dma_semaphore, #tpu.memory_space<semaphore_mem>>)
      %dma_wait3A_969 = arith.constant 0 : i32
      %dma_wait3A_970 = arith.constant 0 : i32
      %dma_wait3A_971 = arith.constant 0 : i32
      %dma_wait3A_972 = tpu.memref_slice %arg6[%dma_wait3A_969, %dma_wait3A_970, %dma_wait3A_971] : memref<8x80x128xf32, #tpu.memory_space<vmem>> -> memref<1x77x128xf32, #tpu.memory_space<vmem>>
      %dma_wait3A_973 = tpu.memref_squeeze %dma_wait3A_972 : memref<1x77x128xf32, #tpu.memory_space<vmem>> -> memref<77x128xf32, #tpu.memory_space<vmem>>
      %dma_wait3A_974 = arith.constant 0 : i32
      %dma_wait3A_975 = tpu.memref_slice %arg5[%add3A_938, %dma_wait3A_974] : memref<128x77xi32, #tpu.memory_space<vmem>> -> memref<1x77xi32, #tpu.memory_space<vmem>>
      %dma_wait3A_976 = tpu.memref_squeeze %dma_wait3A_975 : memref<1x77xi32, #tpu.memory_space<vmem>> -> memref<77xi32, #tpu.memory_space<vmem>>
      %dma_wait3A_977 = arith.constant 0 : i32
      %dma_wait3A_978 = arith.constant 0 : i32
      %dma_wait3A_979 = tpu.memref_slice %arg3[%dma_wait3A_977, %dma_wait3A_978] : memref<100000x128xf32, #tpu.memory_space<hbm>> -> memref<100000x128xf32, #tpu.memory_space<hbm>>
      tpu.wait_indirect_dma semaphore(%arg7 : memref<!tpu.dma_semaphore, #tpu.memory_space<semaphore_mem>>) src(%dma_wait3A_979 : memref<100000x128xf32, #tpu.memory_space<hbm>>) dst(%dma_wait3A_973 : memref<77x128xf32, #tpu.memory_space<vmem>>)
      %add3A_980 = arith.addi %mul3A_2, %add3A_938 : i32
      %mul3A_981 = arith.constant 80 : i32
      %mul3A_982 = arith.muli %add3A_980, %mul3A_981 : i32
      %dma_start3A_983 = arith.constant 0 : i32
      %dma_start3A_984 = arith.constant 0 : i32
      %dma_start3A_985 = arith.constant 0 : i32
      %dma_start3A_986 = tpu.memref_slice %arg6[%dma_start3A_983, %dma_start3A_984, %dma_start3A_985] : memref<8x80x128xf32, #tpu.memory_space<vmem>> -> memref<1x80x128xf32, #tpu.memory_space<vmem>>
      %dma_start3A_987 = tpu.memref_squeeze %dma_start3A_986 : memref<1x80x128xf32, #tpu.memory_space<vmem>> -> memref<80x128xf32, #tpu.memory_space<vmem>>
      %dma_start3A_988 = arith.constant 0 : i32
      %dma_start3A_989 = tpu.memref_slice %arg4[%mul3A_982, %dma_start3A_988] : memref<327680x128xf32, #tpu.memory_space<hbm>> -> memref<80x128xf32, #tpu.memory_space<hbm>>
      %dma_start3A_990 = arith.constant 0 : i32
      %dma_start3A_991 = tpu.memref_slice %arg4[%mul3A_982, %dma_start3A_990] : memref<327680x128xf32, #tpu.memory_space<hbm>> -> memref<80x128xf32, #tpu.memory_space<hbm>>
      %dma_start3A_992 = arith.constant 0 : i32
      %dma_start3A_993 = arith.constant 0 : i32
      %dma_start3A_994 = tpu.memref_slice %arg6[%dma_start3A_983, %dma_start3A_992, %dma_start3A_993] : memref<8x80x128xf32, #tpu.memory_space<vmem>> -> memref<1x80x128xf32, #tpu.memory_space<vmem>>
      %dma_start3A_995 = tpu.memref_squeeze %dma_start3A_994 : memref<1x80x128xf32, #tpu.memory_space<vmem>> -> memref<80x128xf32, #tpu.memory_space<vmem>>
      tpu.enqueue_dma source(%dma_start3A_995 : memref<80x128xf32, #tpu.memory_space<vmem>>) target(%dma_start3A_991 : memref<80x128xf32, #tpu.memory_space<hbm>>) target_semaphore(%arg15 : memref<!tpu.dma_semaphore, #tpu.memory_space<semaphore_mem>>)
      %mul3A_996 = arith.constant 8 : i32
      %mul3A_997 = arith.muli %scan3A_934, %mul3A_996 : i32
      %add3A_998 = arith.constant 1 : i32
      %add3A_999 = arith.addi %mul3A_997, %add3A_998 : i32
      %sub3A_1000 = arith.constant 4 : i32
      %sub3A_1001 = arith.subi %add3A_999, %sub3A_1000 : i32
      %add3A_1002 = arith.addi %mul3A_2, %sub3A_1001 : i32
      %mul3A_1003 = arith.constant 80 : i32
      %mul3A_1004 = arith.muli %add3A_1002, %mul3A_1003 : i32
      %dma_wait3A_1005 = arith.constant 5 : i32
      %dma_wait3A_1006 = arith.constant 0 : i32
      %dma_wait3A_1007 = arith.constant 0 : i32
      %dma_wait3A_1008 = tpu.memref_slice %arg6[%dma_wait3A_1005, %dma_wait3A_1006, %dma_wait3A_1007] : memref<8x80x128xf32, #tpu.memory_space<vmem>> -> memref<1x80x128xf32, #tpu.memory_space<vmem>>
      %dma_wait3A_1009 = tpu.memref_squeeze %dma_wait3A_1008 : memref<1x80x128xf32, #tpu.memory_space<vmem>> -> memref<80x128xf32, #tpu.memory_space<vmem>>
      %dma_wait3A_1010 = arith.constant 0 : i32
      %dma_wait3A_1011 = tpu.memref_slice %arg4[%mul3A_1004, %dma_wait3A_1010] : memref<327680x128xf32, #tpu.memory_space<hbm>> -> memref<80x128xf32, #tpu.memory_space<hbm>>
      %dma_wait3A_1012 = arith.constant 0 : i32
      %dma_wait3A_1013 = tpu.memref_slice %arg4[%mul3A_1004, %dma_wait3A_1012] : memref<327680x128xf32, #tpu.memory_space<hbm>> -> memref<80x128xf32, #tpu.memory_space<hbm>>
      %dma_wait3A_1014 = arith.constant 0 : i32
      %dma_wait3A_1015 = arith.constant 0 : i32
      %dma_wait3A_1016 = tpu.memref_slice %arg6[%dma_wait3A_1005, %dma_wait3A_1014, %dma_wait3A_1015] : memref<8x80x128xf32, #tpu.memory_space<vmem>> -> memref<1x80x128xf32, #tpu.memory_space<vmem>>
      %dma_wait3A_1017 = tpu.memref_squeeze %dma_wait3A_1016 : memref<1x80x128xf32, #tpu.memory_space<vmem>> -> memref<80x128xf32, #tpu.memory_space<vmem>>
      tpu.wait_dma2 semaphore(%arg20 : memref<!tpu.dma_semaphore, #tpu.memory_space<semaphore_mem>>) src(%dma_wait3A_1017 : memref<80x128xf32, #tpu.memory_space<vmem>>) dst(%dma_wait3A_1013 : memref<80x128xf32, #tpu.memory_space<hbm>>)
      %add3A_1018 = arith.constant 4 : i32
      %add3A_1019 = arith.addi %add3A_999, %add3A_1018 : i32
      %dma_start3A_1020 = arith.constant 5 : i32
      %dma_start3A_1021 = arith.constant 0 : i32
      %dma_start3A_1022 = arith.constant 0 : i32
      %dma_start3A_1023 = tpu.memref_slice %arg6[%dma_start3A_1020, %dma_start3A_1021, %dma_start3A_1022] : memref<8x80x128xf32, #tpu.memory_space<vmem>> -> memref<1x77x128xf32, #tpu.memory_space<vmem>>
      %dma_start3A_1024 = tpu.memref_squeeze %dma_start3A_1023 : memref<1x77x128xf32, #tpu.memory_space<vmem>> -> memref<77x128xf32, #tpu.memory_space<vmem>>
      %dma_start3A_1025 = arith.constant 0 : i32
      %dma_start3A_1026 = tpu.memref_slice %arg5[%add3A_1019, %dma_start3A_1025] : memref<128x77xi32, #tpu.memory_space<vmem>> -> memref<1x77xi32, #tpu.memory_space<vmem>>
      %dma_start3A_1027 = tpu.memref_squeeze %dma_start3A_1026 : memref<1x77xi32, #tpu.memory_space<vmem>> -> memref<77xi32, #tpu.memory_space<vmem>>
      %dma_start3A_1028 = arith.constant 0 : i32
      %dma_start3A_1029 = arith.constant 0 : i32
      %dma_start3A_1030 = tpu.memref_slice %arg3[%dma_start3A_1028, %dma_start3A_1029] : memref<100000x128xf32, #tpu.memory_space<hbm>> -> memref<100000x128xf32, #tpu.memory_space<hbm>>
      tpu.enqueue_indirect_dma source(%dma_start3A_1030 : memref<100000x128xf32, #tpu.memory_space<hbm>>) target(%dma_start3A_1024 : memref<77x128xf32, #tpu.memory_space<vmem>>) offsets(%dma_start3A_1027 : memref<77xi32, #tpu.memory_space<vmem>>) semaphore(%arg12 : memref<!tpu.dma_semaphore, #tpu.memory_space<semaphore_mem>>)
      %dma_wait3A_1031 = arith.constant 1 : i32
      %dma_wait3A_1032 = arith.constant 0 : i32
      %dma_wait3A_1033 = arith.constant 0 : i32
      %dma_wait3A_1034 = tpu.memref_slice %arg6[%dma_wait3A_1031, %dma_wait3A_1032, %dma_wait3A_1033] : memref<8x80x128xf32, #tpu.memory_space<vmem>> -> memref<1x77x128xf32, #tpu.memory_space<vmem>>
      %dma_wait3A_1035 = tpu.memref_squeeze %dma_wait3A_1034 : memref<1x77x128xf32, #tpu.memory_space<vmem>> -> memref<77x128xf32, #tpu.memory_space<vmem>>
      %dma_wait3A_1036 = arith.constant 0 : i32
      %dma_wait3A_1037 = tpu.memref_slice %arg5[%add3A_999, %dma_wait3A_1036] : memref<128x77xi32, #tpu.memory_space<vmem>> -> memref<1x77xi32, #tpu.memory_space<vmem>>
      %dma_wait3A_1038 = tpu.memref_squeeze %dma_wait3A_1037 : memref<1x77xi32, #tpu.memory_space<vmem>> -> memref<77xi32, #tpu.memory_space<vmem>>
      %dma_wait3A_1039 = arith.constant 0 : i32
      %dma_wait3A_1040 = arith.constant 0 : i32
      %dma_wait3A_1041 = tpu.memref_slice %arg3[%dma_wait3A_1039, %dma_wait3A_1040] : memref<100000x128xf32, #tpu.memory_space<hbm>> -> memref<100000x128xf32, #tpu.memory_space<hbm>>
      tpu.wait_indirect_dma semaphore(%arg8 : memref<!tpu.dma_semaphore, #tpu.memory_space<semaphore_mem>>) src(%dma_wait3A_1041 : memref<100000x128xf32, #tpu.memory_space<hbm>>) dst(%dma_wait3A_1035 : memref<77x128xf32, #tpu.memory_space<vmem>>)
      %add3A_1042 = arith.addi %mul3A_2, %add3A_999 : i32
      %mul3A_1043 = arith.constant 80 : i32
      %mul3A_1044 = arith.muli %add3A_1042, %mul3A_1043 : i32
      %dma_start3A_1045 = arith.constant 1 : i32
      %dma_start3A_1046 = arith.constant 0 : i32
      %dma_start3A_1047 = arith.constant 0 : i32
      %dma_start3A_1048 = tpu.memref_slice %arg6[%dma_start3A_1045, %dma_start3A_1046, %dma_start3A_1047] : memref<8x80x128xf32, #tpu.memory_space<vmem>> -> memref<1x80x128xf32, #tpu.memory_space<vmem>>
      %dma_start3A_1049 = tpu.memref_squeeze %dma_start3A_1048 : memref<1x80x128xf32, #tpu.memory_space<vmem>> -> memref<80x128xf32, #tpu.memory_space<vmem>>
      %dma_start3A_1050 = arith.constant 0 : i32
      %dma_start3A_1051 = tpu.memref_slice %arg4[%mul3A_1044, %dma_start3A_1050] : memref<327680x128xf32, #tpu.memory_space<hbm>> -> memref<80x128xf32, #tpu.memory_space<hbm>>
      %dma_start3A_1052 = arith.constant 0 : i32
      %dma_start3A_1053 = tpu.memref_slice %arg4[%mul3A_1044, %dma_start3A_1052] : memref<327680x128xf32, #tpu.memory_space<hbm>> -> memref<80x128xf32, #tpu.memory_space<hbm>>
      %dma_start3A_1054 = arith.constant 0 : i32
      %dma_start3A_1055 = arith.constant 0 : i32
      %dma_start3A_1056 = tpu.memref_slice %arg6[%dma_start3A_1045, %dma_start3A_1054, %dma_start3A_1055] : memref<8x80x128xf32, #tpu.memory_space<vmem>> -> memref<1x80x128xf32, #tpu.memory_space<vmem>>
      %dma_start3A_1057 = tpu.memref_squeeze %dma_start3A_1056 : memref<1x80x128xf32, #tpu.memory_space<vmem>> -> memref<80x128xf32, #tpu.memory_space<vmem>>
      tpu.enqueue_dma source(%dma_start3A_1057 : memref<80x128xf32, #tpu.memory_space<vmem>>) target(%dma_start3A_1053 : memref<80x128xf32, #tpu.memory_space<hbm>>) target_semaphore(%arg16 : memref<!tpu.dma_semaphore, #tpu.memory_space<semaphore_mem>>)
      %mul3A_1058 = arith.constant 8 : i32
      %mul3A_1059 = arith.muli %scan3A_934, %mul3A_1058 : i32
      %add3A_1060 = arith.constant 2 : i32
      %add3A_1061 = arith.addi %mul3A_1059, %add3A_1060 : i32
      %sub3A_1062 = arith.constant 4 : i32
      %sub3A_1063 = arith.subi %add3A_1061, %sub3A_1062 : i32
      %add3A_1064 = arith.addi %mul3A_2, %sub3A_1063 : i32
      %mul3A_1065 = arith.constant 80 : i32
      %mul3A_1066 = arith.muli %add3A_1064, %mul3A_1065 : i32
      %dma_wait3A_1067 = arith.constant 6 : i32
      %dma_wait3A_1068 = arith.constant 0 : i32
      %dma_wait3A_1069 = arith.constant 0 : i32
      %dma_wait3A_1070 = tpu.memref_slice %arg6[%dma_wait3A_1067, %dma_wait3A_1068, %dma_wait3A_1069] : memref<8x80x128xf32, #tpu.memory_space<vmem>> -> memref<1x80x128xf32, #tpu.memory_space<vmem>>
      %dma_wait3A_1071 = tpu.memref_squeeze %dma_wait3A_1070 : memref<1x80x128xf32, #tpu.memory_space<vmem>> -> memref<80x128xf32, #tpu.memory_space<vmem>>
      %dma_wait3A_1072 = arith.constant 0 : i32
      %dma_wait3A_1073 = tpu.memref_slice %arg4[%mul3A_1066, %dma_wait3A_1072] : memref<327680x128xf32, #tpu.memory_space<hbm>> -> memref<80x128xf32, #tpu.memory_space<hbm>>
      %dma_wait3A_1074 = arith.constant 0 : i32
      %dma_wait3A_1075 = tpu.memref_slice %arg4[%mul3A_1066, %dma_wait3A_1074] : memref<327680x128xf32, #tpu.memory_space<hbm>> -> memref<80x128xf32, #tpu.memory_space<hbm>>
      %dma_wait3A_1076 = arith.constant 0 : i32
      %dma_wait3A_1077 = arith.constant 0 : i32
      %dma_wait3A_1078 = tpu.memref_slice %arg6[%dma_wait3A_1067, %dma_wait3A_1076, %dma_wait3A_1077] : memref<8x80x128xf32, #tpu.memory_space<vmem>> -> memref<1x80x128xf32, #tpu.memory_space<vmem>>
      %dma_wait3A_1079 = tpu.memref_squeeze %dma_wait3A_1078 : memref<1x80x128xf32, #tpu.memory_space<vmem>> -> memref<80x128xf32, #tpu.memory_space<vmem>>
      tpu.wait_dma2 semaphore(%arg21 : memref<!tpu.dma_semaphore, #tpu.memory_space<semaphore_mem>>) src(%dma_wait3A_1079 : memref<80x128xf32, #tpu.memory_space<vmem>>) dst(%dma_wait3A_1075 : memref<80x128xf32, #tpu.memory_space<hbm>>)
      %add3A_1080 = arith.constant 4 : i32
      %add3A_1081 = arith.addi %add3A_1061, %add3A_1080 : i32
      %dma_start3A_1082 = arith.constant 6 : i32
      %dma_start3A_1083 = arith.constant 0 : i32
      %dma_start3A_1084 = arith.constant 0 : i32
      %dma_start3A_1085 = tpu.memref_slice %arg6[%dma_start3A_1082, %dma_start3A_1083, %dma_start3A_1084] : memref<8x80x128xf32, #tpu.memory_space<vmem>> -> memref<1x77x128xf32, #tpu.memory_space<vmem>>
      %dma_start3A_1086 = tpu.memref_squeeze %dma_start3A_1085 : memref<1x77x128xf32, #tpu.memory_space<vmem>> -> memref<77x128xf32, #tpu.memory_space<vmem>>
      %dma_start3A_1087 = arith.constant 0 : i32
      %dma_start3A_1088 = tpu.memref_slice %arg5[%add3A_1081, %dma_start3A_1087] : memref<128x77xi32, #tpu.memory_space<vmem>> -> memref<1x77xi32, #tpu.memory_space<vmem>>
      %dma_start3A_1089 = tpu.memref_squeeze %dma_start3A_1088 : memref<1x77xi32, #tpu.memory_space<vmem>> -> memref<77xi32, #tpu.memory_space<vmem>>
      %dma_start3A_1090 = arith.constant 0 : i32
      %dma_start3A_1091 = arith.constant 0 : i32
      %dma_start3A_1092 = tpu.memref_slice %arg3[%dma_start3A_1090, %dma_start3A_1091] : memref<100000x128xf32, #tpu.memory_space<hbm>> -> memref<100000x128xf32, #tpu.memory_space<hbm>>
      tpu.enqueue_indirect_dma source(%dma_start3A_1092 : memref<100000x128xf32, #tpu.memory_space<hbm>>) target(%dma_start3A_1086 : memref<77x128xf32, #tpu.memory_space<vmem>>) offsets(%dma_start3A_1089 : memref<77xi32, #tpu.memory_space<vmem>>) semaphore(%arg13 : memref<!tpu.dma_semaphore, #tpu.memory_space<semaphore_mem>>)
      %dma_wait3A_1093 = arith.constant 2 : i32
      %dma_wait3A_1094 = arith.constant 0 : i32
      %dma_wait3A_1095 = arith.constant 0 : i32
      %dma_wait3A_1096 = tpu.memref_slice %arg6[%dma_wait3A_1093, %dma_wait3A_1094, %dma_wait3A_1095] : memref<8x80x128xf32, #tpu.memory_space<vmem>> -> memref<1x77x128xf32, #tpu.memory_space<vmem>>
      %dma_wait3A_1097 = tpu.memref_squeeze %dma_wait3A_1096 : memref<1x77x128xf32, #tpu.memory_space<vmem>> -> memref<77x128xf32, #tpu.memory_space<vmem>>
      %dma_wait3A_1098 = arith.constant 0 : i32
      %dma_wait3A_1099 = tpu.memref_slice %arg5[%add3A_1061, %dma_wait3A_1098] : memref<128x77xi32, #tpu.memory_space<vmem>> -> memref<1x77xi32, #tpu.memory_space<vmem>>
      %dma_wait3A_1100 = tpu.memref_squeeze %dma_wait3A_1099 : memref<1x77xi32, #tpu.memory_space<vmem>> -> memref<77xi32, #tpu.memory_space<vmem>>
      %dma_wait3A_1101 = arith.constant 0 : i32
      %dma_wait3A_1102 = arith.constant 0 : i32
      %dma_wait3A_1103 = tpu.memref_slice %arg3[%dma_wait3A_1101, %dma_wait3A_1102] : memref<100000x128xf32, #tpu.memory_space<hbm>> -> memref<100000x128xf32, #tpu.memory_space<hbm>>
      tpu.wait_indirect_dma semaphore(%arg9 : memref<!tpu.dma_semaphore, #tpu.memory_space<semaphore_mem>>) src(%dma_wait3A_1103 : memref<100000x128xf32, #tpu.memory_space<hbm>>) dst(%dma_wait3A_1097 : memref<77x128xf32, #tpu.memory_space<vmem>>)
      %add3A_1104 = arith.addi %mul3A_2, %add3A_1061 : i32
      %mul3A_1105 = arith.constant 80 : i32
      %mul3A_1106 = arith.muli %add3A_1104, %mul3A_1105 : i32
      %dma_start3A_1107 = arith.constant 2 : i32
      %dma_start3A_1108 = arith.constant 0 : i32
      %dma_start3A_1109 = arith.constant 0 : i32
      %dma_start3A_1110 = tpu.memref_slice %arg6[%dma_start3A_1107, %dma_start3A_1108, %dma_start3A_1109] : memref<8x80x128xf32, #tpu.memory_space<vmem>> -> memref<1x80x128xf32, #tpu.memory_space<vmem>>
      %dma_start3A_1111 = tpu.memref_squeeze %dma_start3A_1110 : memref<1x80x128xf32, #tpu.memory_space<vmem>> -> memref<80x128xf32, #tpu.memory_space<vmem>>
      %dma_start3A_1112 = arith.constant 0 : i32
      %dma_start3A_1113 = tpu.memref_slice %arg4[%mul3A_1106, %dma_start3A_1112] : memref<327680x128xf32, #tpu.memory_space<hbm>> -> memref<80x128xf32, #tpu.memory_space<hbm>>
      %dma_start3A_1114 = arith.constant 0 : i32
      %dma_start3A_1115 = tpu.memref_slice %arg4[%mul3A_1106, %dma_start3A_1114] : memref<327680x128xf32, #tpu.memory_space<hbm>> -> memref<80x128xf32, #tpu.memory_space<hbm>>
      %dma_start3A_1116 = arith.constant 0 : i32
      %dma_start3A_1117 = arith.constant 0 : i32
      %dma_start3A_1118 = tpu.memref_slice %arg6[%dma_start3A_1107, %dma_start3A_1116, %dma_start3A_1117] : memref<8x80x128xf32, #tpu.memory_space<vmem>> -> memref<1x80x128xf32, #tpu.memory_space<vmem>>
      %dma_start3A_1119 = tpu.memref_squeeze %dma_start3A_1118 : memref<1x80x128xf32, #tpu.memory_space<vmem>> -> memref<80x128xf32, #tpu.memory_space<vmem>>
      tpu.enqueue_dma source(%dma_start3A_1119 : memref<80x128xf32, #tpu.memory_space<vmem>>) target(%dma_start3A_1115 : memref<80x128xf32, #tpu.memory_space<hbm>>) target_semaphore(%arg17 : memref<!tpu.dma_semaphore, #tpu.memory_space<semaphore_mem>>)
      %mul3A_1120 = arith.constant 8 : i32
      %mul3A_1121 = arith.muli %scan3A_934, %mul3A_1120 : i32
      %add3A_1122 = arith.constant 3 : i32
      %add3A_1123 = arith.addi %mul3A_1121, %add3A_1122 : i32
      %sub3A_1124 = arith.constant 4 : i32
      %sub3A_1125 = arith.subi %add3A_1123, %sub3A_1124 : i32
      %add3A_1126 = arith.addi %mul3A_2, %sub3A_1125 : i32
      %mul3A_1127 = arith.constant 80 : i32
      %mul3A_1128 = arith.muli %add3A_1126, %mul3A_1127 : i32
      %dma_wait3A_1129 = arith.constant 7 : i32
      %dma_wait3A_1130 = arith.constant 0 : i32
      %dma_wait3A_1131 = arith.constant 0 : i32
      %dma_wait3A_1132 = tpu.memref_slice %arg6[%dma_wait3A_1129, %dma_wait3A_1130, %dma_wait3A_1131] : memref<8x80x128xf32, #tpu.memory_space<vmem>> -> memref<1x80x128xf32, #tpu.memory_space<vmem>>
      %dma_wait3A_1133 = tpu.memref_squeeze %dma_wait3A_1132 : memref<1x80x128xf32, #tpu.memory_space<vmem>> -> memref<80x128xf32, #tpu.memory_space<vmem>>
      %dma_wait3A_1134 = arith.constant 0 : i32
      %dma_wait3A_1135 = tpu.memref_slice %arg4[%mul3A_1128, %dma_wait3A_1134] : memref<327680x128xf32, #tpu.memory_space<hbm>> -> memref<80x128xf32, #tpu.memory_space<hbm>>
      %dma_wait3A_1136 = arith.constant 0 : i32
      %dma_wait3A_1137 = tpu.memref_slice %arg4[%mul3A_1128, %dma_wait3A_1136] : memref<327680x128xf32, #tpu.memory_space<hbm>> -> memref<80x128xf32, #tpu.memory_space<hbm>>
      %dma_wait3A_1138 = arith.constant 0 : i32
      %dma_wait3A_1139 = arith.constant 0 : i32
      %dma_wait3A_1140 = tpu.memref_slice %arg6[%dma_wait3A_1129, %dma_wait3A_1138, %dma_wait3A_1139] : memref<8x80x128xf32, #tpu.memory_space<vmem>> -> memref<1x80x128xf32, #tpu.memory_space<vmem>>
      %dma_wait3A_1141 = tpu.memref_squeeze %dma_wait3A_1140 : memref<1x80x128xf32, #tpu.memory_space<vmem>> -> memref<80x128xf32, #tpu.memory_space<vmem>>
      tpu.wait_dma2 semaphore(%arg22 : memref<!tpu.dma_semaphore, #tpu.memory_space<semaphore_mem>>) src(%dma_wait3A_1141 : memref<80x128xf32, #tpu.memory_space<vmem>>) dst(%dma_wait3A_1137 : memref<80x128xf32, #tpu.memory_space<hbm>>)
      %add3A_1142 = arith.constant 4 : i32
      %add3A_1143 = arith.addi %add3A_1123, %add3A_1142 : i32
      %dma_start3A_1144 = arith.constant 7 : i32
      %dma_start3A_1145 = arith.constant 0 : i32
      %dma_start3A_1146 = arith.constant 0 : i32
      %dma_start3A_1147 = tpu.memref_slice %arg6[%dma_start3A_1144, %dma_start3A_1145, %dma_start3A_1146] : memref<8x80x128xf32, #tpu.memory_space<vmem>> -> memref<1x77x128xf32, #tpu.memory_space<vmem>>
      %dma_start3A_1148 = tpu.memref_squeeze %dma_start3A_1147 : memref<1x77x128xf32, #tpu.memory_space<vmem>> -> memref<77x128xf32, #tpu.memory_space<vmem>>
      %dma_start3A_1149 = arith.constant 0 : i32
      %dma_start3A_1150 = tpu.memref_slice %arg5[%add3A_1143, %dma_start3A_1149] : memref<128x77xi32, #tpu.memory_space<vmem>> -> memref<1x77xi32, #tpu.memory_space<vmem>>
      %dma_start3A_1151 = tpu.memref_squeeze %dma_start3A_1150 : memref<1x77xi32, #tpu.memory_space<vmem>> -> memref<77xi32, #tpu.memory_space<vmem>>
      %dma_start3A_1152 = arith.constant 0 : i32
      %dma_start3A_1153 = arith.constant 0 : i32
      %dma_start3A_1154 = tpu.memref_slice %arg3[%dma_start3A_1152, %dma_start3A_1153] : memref<100000x128xf32, #tpu.memory_space<hbm>> -> memref<100000x128xf32, #tpu.memory_space<hbm>>
      tpu.enqueue_indirect_dma source(%dma_start3A_1154 : memref<100000x128xf32, #tpu.memory_space<hbm>>) target(%dma_start3A_1148 : memref<77x128xf32, #tpu.memory_space<vmem>>) offsets(%dma_start3A_1151 : memref<77xi32, #tpu.memory_space<vmem>>) semaphore(%arg14 : memref<!tpu.dma_semaphore, #tpu.memory_space<semaphore_mem>>)
      %dma_wait3A_1155 = arith.constant 3 : i32
      %dma_wait3A_1156 = arith.constant 0 : i32
      %dma_wait3A_1157 = arith.constant 0 : i32
      %dma_wait3A_1158 = tpu.memref_slice %arg6[%dma_wait3A_1155, %dma_wait3A_1156, %dma_wait3A_1157] : memref<8x80x128xf32, #tpu.memory_space<vmem>> -> memref<1x77x128xf32, #tpu.memory_space<vmem>>
      %dma_wait3A_1159 = tpu.memref_squeeze %dma_wait3A_1158 : memref<1x77x128xf32, #tpu.memory_space<vmem>> -> memref<77x128xf32, #tpu.memory_space<vmem>>
      %dma_wait3A_1160 = arith.constant 0 : i32
      %dma_wait3A_1161 = tpu.memref_slice %arg5[%add3A_1123, %dma_wait3A_1160] : memref<128x77xi32, #tpu.memory_space<vmem>> -> memref<1x77xi32, #tpu.memory_space<vmem>>
      %dma_wait3A_1162 = tpu.memref_squeeze %dma_wait3A_1161 : memref<1x77xi32, #tpu.memory_space<vmem>> -> memref<77xi32, #tpu.memory_space<vmem>>
      %dma_wait3A_1163 = arith.constant 0 : i32
      %dma_wait3A_1164 = arith.constant 0 : i32
      %dma_wait3A_1165 = tpu.memref_slice %arg3[%dma_wait3A_1163, %dma_wait3A_1164] : memref<100000x128xf32, #tpu.memory_space<hbm>> -> memref<100000x128xf32, #tpu.memory_space<hbm>>
      tpu.wait_indirect_dma semaphore(%arg10 : memref<!tpu.dma_semaphore, #tpu.memory_space<semaphore_mem>>) src(%dma_wait3A_1165 : memref<100000x128xf32, #tpu.memory_space<hbm>>) dst(%dma_wait3A_1159 : memref<77x128xf32, #tpu.memory_space<vmem>>)
      %add3A_1166 = arith.addi %mul3A_2, %add3A_1123 : i32
      %mul3A_1167 = arith.constant 80 : i32
      %mul3A_1168 = arith.muli %add3A_1166, %mul3A_1167 : i32
      %dma_start3A_1169 = arith.constant 3 : i32
      %dma_start3A_1170 = arith.constant 0 : i32
      %dma_start3A_1171 = arith.constant 0 : i32
      %dma_start3A_1172 = tpu.memref_slice %arg6[%dma_start3A_1169, %dma_start3A_1170, %dma_start3A_1171] : memref<8x80x128xf32, #tpu.memory_space<vmem>> -> memref<1x80x128xf32, #tpu.memory_space<vmem>>
      %dma_start3A_1173 = tpu.memref_squeeze %dma_start3A_1172 : memref<1x80x128xf32, #tpu.memory_space<vmem>> -> memref<80x128xf32, #tpu.memory_space<vmem>>
      %dma_start3A_1174 = arith.constant 0 : i32
      %dma_start3A_1175 = tpu.memref_slice %arg4[%mul3A_1168, %dma_start3A_1174] : memref<327680x128xf32, #tpu.memory_space<hbm>> -> memref<80x128xf32, #tpu.memory_space<hbm>>
      %dma_start3A_1176 = arith.constant 0 : i32
      %dma_start3A_1177 = tpu.memref_slice %arg4[%mul3A_1168, %dma_start3A_1176] : memref<327680x128xf32, #tpu.memory_space<hbm>> -> memref<80x128xf32, #tpu.memory_space<hbm>>
      %dma_start3A_1178 = arith.constant 0 : i32
      %dma_start3A_1179 = arith.constant 0 : i32
      %dma_start3A_1180 = tpu.memref_slice %arg6[%dma_start3A_1169, %dma_start3A_1178, %dma_start3A_1179] : memref<8x80x128xf32, #tpu.memory_space<vmem>> -> memref<1x80x128xf32, #tpu.memory_space<vmem>>
      %dma_start3A_1181 = tpu.memref_squeeze %dma_start3A_1180 : memref<1x80x128xf32, #tpu.memory_space<vmem>> -> memref<80x128xf32, #tpu.memory_space<vmem>>
      tpu.enqueue_dma source(%dma_start3A_1181 : memref<80x128xf32, #tpu.memory_space<vmem>>) target(%dma_start3A_1177 : memref<80x128xf32, #tpu.memory_space<hbm>>) target_semaphore(%arg18 : memref<!tpu.dma_semaphore, #tpu.memory_space<semaphore_mem>>)
      %mul3A_1182 = arith.constant 8 : i32
      %mul3A_1183 = arith.muli %scan3A_934, %mul3A_1182 : i32
      %add3A_1184 = arith.constant 4 : i32
      %add3A_1185 = arith.addi %mul3A_1183, %add3A_1184 : i32
      %sub3A_1186 = arith.constant 4 : i32
      %sub3A_1187 = arith.subi %add3A_1185, %sub3A_1186 : i32
      %add3A_1188 = arith.addi %mul3A_2, %sub3A_1187 : i32
      %mul3A_1189 = arith.constant 80 : i32
      %mul3A_1190 = arith.muli %add3A_1188, %mul3A_1189 : i32
      %dma_wait3A_1191 = arith.constant 0 : i32
      %dma_wait3A_1192 = arith.constant 0 : i32
      %dma_wait3A_1193 = arith.constant 0 : i32
      %dma_wait3A_1194 = tpu.memref_slice %arg6[%dma_wait3A_1191, %dma_wait3A_1192, %dma_wait3A_1193] : memref<8x80x128xf32, #tpu.memory_space<vmem>> -> memref<1x80x128xf32, #tpu.memory_space<vmem>>
      %dma_wait3A_1195 = tpu.memref_squeeze %dma_wait3A_1194 : memref<1x80x128xf32, #tpu.memory_space<vmem>> -> memref<80x128xf32, #tpu.memory_space<vmem>>
      %dma_wait3A_1196 = arith.constant 0 : i32
      %dma_wait3A_1197 = tpu.memref_slice %arg4[%mul3A_1190, %dma_wait3A_1196] : memref<327680x128xf32, #tpu.memory_space<hbm>> -> memref<80x128xf32, #tpu.memory_space<hbm>>
      %dma_wait3A_1198 = arith.constant 0 : i32
      %dma_wait3A_1199 = tpu.memref_slice %arg4[%mul3A_1190, %dma_wait3A_1198] : memref<327680x128xf32, #tpu.memory_space<hbm>> -> memref<80x128xf32, #tpu.memory_space<hbm>>
      %dma_wait3A_1200 = arith.constant 0 : i32
      %dma_wait3A_1201 = arith.constant 0 : i32
      %dma_wait3A_1202 = tpu.memref_slice %arg6[%dma_wait3A_1191, %dma_wait3A_1200, %dma_wait3A_1201] : memref<8x80x128xf32, #tpu.memory_space<vmem>> -> memref<1x80x128xf32, #tpu.memory_space<vmem>>
      %dma_wait3A_1203 = tpu.memref_squeeze %dma_wait3A_1202 : memref<1x80x128xf32, #tpu.memory_space<vmem>> -> memref<80x128xf32, #tpu.memory_space<vmem>>
      tpu.wait_dma2 semaphore(%arg15 : memref<!tpu.dma_semaphore, #tpu.memory_space<semaphore_mem>>) src(%dma_wait3A_1203 : memref<80x128xf32, #tpu.memory_space<vmem>>) dst(%dma_wait3A_1199 : memref<80x128xf32, #tpu.memory_space<hbm>>)
      %add3A_1204 = arith.constant 4 : i32
      %add3A_1205 = arith.addi %add3A_1185, %add3A_1204 : i32
      %dma_start3A_1206 = arith.constant 0 : i32
      %dma_start3A_1207 = arith.constant 0 : i32
      %dma_start3A_1208 = arith.constant 0 : i32
      %dma_start3A_1209 = tpu.memref_slice %arg6[%dma_start3A_1206, %dma_start3A_1207, %dma_start3A_1208] : memref<8x80x128xf32, #tpu.memory_space<vmem>> -> memref<1x77x128xf32, #tpu.memory_space<vmem>>
      %dma_start3A_1210 = tpu.memref_squeeze %dma_start3A_1209 : memref<1x77x128xf32, #tpu.memory_space<vmem>> -> memref<77x128xf32, #tpu.memory_space<vmem>>
      %dma_start3A_1211 = arith.constant 0 : i32
      %dma_start3A_1212 = tpu.memref_slice %arg5[%add3A_1205, %dma_start3A_1211] : memref<128x77xi32, #tpu.memory_space<vmem>> -> memref<1x77xi32, #tpu.memory_space<vmem>>
      %dma_start3A_1213 = tpu.memref_squeeze %dma_start3A_1212 : memref<1x77xi32, #tpu.memory_space<vmem>> -> memref<77xi32, #tpu.memory_space<vmem>>
      %dma_start3A_1214 = arith.constant 0 : i32
      %dma_start3A_1215 = arith.constant 0 : i32
      %dma_start3A_1216 = tpu.memref_slice %arg3[%dma_start3A_1214, %dma_start3A_1215] : memref<100000x128xf32, #tpu.memory_space<hbm>> -> memref<100000x128xf32, #tpu.memory_space<hbm>>
      tpu.enqueue_indirect_dma source(%dma_start3A_1216 : memref<100000x128xf32, #tpu.memory_space<hbm>>) target(%dma_start3A_1210 : memref<77x128xf32, #tpu.memory_space<vmem>>) offsets(%dma_start3A_1213 : memref<77xi32, #tpu.memory_space<vmem>>) semaphore(%arg7 : memref<!tpu.dma_semaphore, #tpu.memory_space<semaphore_mem>>)
      %dma_wait3A_1217 = arith.constant 4 : i32
      %dma_wait3A_1218 = arith.constant 0 : i32
      %dma_wait3A_1219 = arith.constant 0 : i32
      %dma_wait3A_1220 = tpu.memref_slice %arg6[%dma_wait3A_1217, %dma_wait3A_1218, %dma_wait3A_1219] : memref<8x80x128xf32, #tpu.memory_space<vmem>> -> memref<1x77x128xf32, #tpu.memory_space<vmem>>
      %dma_wait3A_1221 = tpu.memref_squeeze %dma_wait3A_1220 : memref<1x77x128xf32, #tpu.memory_space<vmem>> -> memref<77x128xf32, #tpu.memory_space<vmem>>
      %dma_wait3A_1222 = arith.constant 0 : i32
      %dma_wait3A_1223 = tpu.memref_slice %arg5[%add3A_1185, %dma_wait3A_1222] : memref<128x77xi32, #tpu.memory_space<vmem>> -> memref<1x77xi32, #tpu.memory_space<vmem>>
      %dma_wait3A_1224 = tpu.memref_squeeze %dma_wait3A_1223 : memref<1x77xi32, #tpu.memory_space<vmem>> -> memref<77xi32, #tpu.memory_space<vmem>>
      %dma_wait3A_1225 = arith.constant 0 : i32
      %dma_wait3A_1226 = arith.constant 0 : i32
      %dma_wait3A_1227 = tpu.memref_slice %arg3[%dma_wait3A_1225, %dma_wait3A_1226] : memref<100000x128xf32, #tpu.memory_space<hbm>> -> memref<100000x128xf32, #tpu.memory_space<hbm>>
      tpu.wait_indirect_dma semaphore(%arg11 : memref<!tpu.dma_semaphore, #tpu.memory_space<semaphore_mem>>) src(%dma_wait3A_1227 : memref<100000x128xf32, #tpu.memory_space<hbm>>) dst(%dma_wait3A_1221 : memref<77x128xf32, #tpu.memory_space<vmem>>)
      %add3A_1228 = arith.addi %mul3A_2, %add3A_1185 : i32
      %mul3A_1229 = arith.constant 80 : i32
      %mul3A_1230 = arith.muli %add3A_1228, %mul3A_1229 : i32
      %dma_start3A_1231 = arith.constant 4 : i32
      %dma_start3A_1232 = arith.constant 0 : i32
      %dma_start3A_1233 = arith.constant 0 : i32
      %dma_start3A_1234 = tpu.memref_slice %arg6[%dma_start3A_1231, %dma_start3A_1232, %dma_start3A_1233] : memref<8x80x128xf32, #tpu.memory_space<vmem>> -> memref<1x80x128xf32, #tpu.memory_space<vmem>>
      %dma_start3A_1235 = tpu.memref_squeeze %dma_start3A_1234 : memref<1x80x128xf32, #tpu.memory_space<vmem>> -> memref<80x128xf32, #tpu.memory_space<vmem>>
      %dma_start3A_1236 = arith.constant 0 : i32
      %dma_start3A_1237 = tpu.memref_slice %arg4[%mul3A_1230, %dma_start3A_1236] : memref<327680x128xf32, #tpu.memory_space<hbm>> -> memref<80x128xf32, #tpu.memory_space<hbm>>
      %dma_start3A_1238 = arith.constant 0 : i32
      %dma_start3A_1239 = tpu.memref_slice %arg4[%mul3A_1230, %dma_start3A_1238] : memref<327680x128xf32, #tpu.memory_space<hbm>> -> memref<80x128xf32, #tpu.memory_space<hbm>>
      %dma_start3A_1240 = arith.constant 0 : i32
      %dma_start3A_1241 = arith.constant 0 : i32
      %dma_start3A_1242 = tpu.memref_slice %arg6[%dma_start3A_1231, %dma_start3A_1240, %dma_start3A_1241] : memref<8x80x128xf32, #tpu.memory_space<vmem>> -> memref<1x80x128xf32, #tpu.memory_space<vmem>>
      %dma_start3A_1243 = tpu.memref_squeeze %dma_start3A_1242 : memref<1x80x128xf32, #tpu.memory_space<vmem>> -> memref<80x128xf32, #tpu.memory_space<vmem>>
      tpu.enqueue_dma source(%dma_start3A_1243 : memref<80x128xf32, #tpu.memory_space<vmem>>) target(%dma_start3A_1239 : memref<80x128xf32, #tpu.memory_space<hbm>>) target_semaphore(%arg19 : memref<!tpu.dma_semaphore, #tpu.memory_space<semaphore_mem>>)
      %mul3A_1244 = arith.constant 8 : i32
      %mul3A_1245 = arith.muli %scan3A_934, %mul3A_1244 : i32
      %add3A_1246 = arith.constant 5 : i32
      %add3A_1247 = arith.addi %mul3A_1245, %add3A_1246 : i32
      %sub3A_1248 = arith.constant 4 : i32
      %sub3A_1249 = arith.subi %add3A_1247, %sub3A_1248 : i32
      %add3A_1250 = arith.addi %mul3A_2, %sub3A_1249 : i32
      %mul3A_1251 = arith.constant 80 : i32
      %mul3A_1252 = arith.muli %add3A_1250, %mul3A_1251 : i32
      %dma_wait3A_1253 = arith.constant 1 : i32
      %dma_wait3A_1254 = arith.constant 0 : i32
      %dma_wait3A_1255 = arith.constant 0 : i32
      %dma_wait3A_1256 = tpu.memref_slice %arg6[%dma_wait3A_1253, %dma_wait3A_1254, %dma_wait3A_1255] : memref<8x80x128xf32, #tpu.memory_space<vmem>> -> memref<1x80x128xf32, #tpu.memory_space<vmem>>
      %dma_wait3A_1257 = tpu.memref_squeeze %dma_wait3A_1256 : memref<1x80x128xf32, #tpu.memory_space<vmem>> -> memref<80x128xf32, #tpu.memory_space<vmem>>
      %dma_wait3A_1258 = arith.constant 0 : i32
      %dma_wait3A_1259 = tpu.memref_slice %arg4[%mul3A_1252, %dma_wait3A_1258] : memref<327680x128xf32, #tpu.memory_space<hbm>> -> memref<80x128xf32, #tpu.memory_space<hbm>>
      %dma_wait3A_1260 = arith.constant 0 : i32
      %dma_wait3A_1261 = tpu.memref_slice %arg4[%mul3A_1252, %dma_wait3A_1260] : memref<327680x128xf32, #tpu.memory_space<hbm>> -> memref<80x128xf32, #tpu.memory_space<hbm>>
      %dma_wait3A_1262 = arith.constant 0 : i32
      %dma_wait3A_1263 = arith.constant 0 : i32
      %dma_wait3A_1264 = tpu.memref_slice %arg6[%dma_wait3A_1253, %dma_wait3A_1262, %dma_wait3A_1263] : memref<8x80x128xf32, #tpu.memory_space<vmem>> -> memref<1x80x128xf32, #tpu.memory_space<vmem>>
      %dma_wait3A_1265 = tpu.memref_squeeze %dma_wait3A_1264 : memref<1x80x128xf32, #tpu.memory_space<vmem>> -> memref<80x128xf32, #tpu.memory_space<vmem>>
      tpu.wait_dma2 semaphore(%arg16 : memref<!tpu.dma_semaphore, #tpu.memory_space<semaphore_mem>>) src(%dma_wait3A_1265 : memref<80x128xf32, #tpu.memory_space<vmem>>) dst(%dma_wait3A_1261 : memref<80x128xf32, #tpu.memory_space<hbm>>)
      %add3A_1266 = arith.constant 4 : i32
      %add3A_1267 = arith.addi %add3A_1247, %add3A_1266 : i32
      %dma_start3A_1268 = arith.constant 1 : i32
      %dma_start3A_1269 = arith.constant 0 : i32
      %dma_start3A_1270 = arith.constant 0 : i32
      %dma_start3A_1271 = tpu.memref_slice %arg6[%dma_start3A_1268, %dma_start3A_1269, %dma_start3A_1270] : memref<8x80x128xf32, #tpu.memory_space<vmem>> -> memref<1x77x128xf32, #tpu.memory_space<vmem>>
      %dma_start3A_1272 = tpu.memref_squeeze %dma_start3A_1271 : memref<1x77x128xf32, #tpu.memory_space<vmem>> -> memref<77x128xf32, #tpu.memory_space<vmem>>
      %dma_start3A_1273 = arith.constant 0 : i32
      %dma_start3A_1274 = tpu.memref_slice %arg5[%add3A_1267, %dma_start3A_1273] : memref<128x77xi32, #tpu.memory_space<vmem>> -> memref<1x77xi32, #tpu.memory_space<vmem>>
      %dma_start3A_1275 = tpu.memref_squeeze %dma_start3A_1274 : memref<1x77xi32, #tpu.memory_space<vmem>> -> memref<77xi32, #tpu.memory_space<vmem>>
      %dma_start3A_1276 = arith.constant 0 : i32
      %dma_start3A_1277 = arith.constant 0 : i32
      %dma_start3A_1278 = tpu.memref_slice %arg3[%dma_start3A_1276, %dma_start3A_1277] : memref<100000x128xf32, #tpu.memory_space<hbm>> -> memref<100000x128xf32, #tpu.memory_space<hbm>>
      tpu.enqueue_indirect_dma source(%dma_start3A_1278 : memref<100000x128xf32, #tpu.memory_space<hbm>>) target(%dma_start3A_1272 : memref<77x128xf32, #tpu.memory_space<vmem>>) offsets(%dma_start3A_1275 : memref<77xi32, #tpu.memory_space<vmem>>) semaphore(%arg8 : memref<!tpu.dma_semaphore, #tpu.memory_space<semaphore_mem>>)
      %dma_wait3A_1279 = arith.constant 5 : i32
      %dma_wait3A_1280 = arith.constant 0 : i32
      %dma_wait3A_1281 = arith.constant 0 : i32
      %dma_wait3A_1282 = tpu.memref_slice %arg6[%dma_wait3A_1279, %dma_wait3A_1280, %dma_wait3A_1281] : memref<8x80x128xf32, #tpu.memory_space<vmem>> -> memref<1x77x128xf32, #tpu.memory_space<vmem>>
      %dma_wait3A_1283 = tpu.memref_squeeze %dma_wait3A_1282 : memref<1x77x128xf32, #tpu.memory_space<vmem>> -> memref<77x128xf32, #tpu.memory_space<vmem>>
      %dma_wait3A_1284 = arith.constant 0 : i32
      %dma_wait3A_1285 = tpu.memref_slice %arg5[%add3A_1247, %dma_wait3A_1284] : memref<128x77xi32, #tpu.memory_space<vmem>> -> memref<1x77xi32, #tpu.memory_space<vmem>>
      %dma_wait3A_1286 = tpu.memref_squeeze %dma_wait3A_1285 : memref<1x77xi32, #tpu.memory_space<vmem>> -> memref<77xi32, #tpu.memory_space<vmem>>
      %dma_wait3A_1287 = arith.constant 0 : i32
      %dma_wait3A_1288 = arith.constant 0 : i32
      %dma_wait3A_1289 = tpu.memref_slice %arg3[%dma_wait3A_1287, %dma_wait3A_1288] : memref<100000x128xf32, #tpu.memory_space<hbm>> -> memref<100000x128xf32, #tpu.memory_space<hbm>>
      tpu.wait_indirect_dma semaphore(%arg12 : memref<!tpu.dma_semaphore, #tpu.memory_space<semaphore_mem>>) src(%dma_wait3A_1289 : memref<100000x128xf32, #tpu.memory_space<hbm>>) dst(%dma_wait3A_1283 : memref<77x128xf32, #tpu.memory_space<vmem>>)
      %add3A_1290 = arith.addi %mul3A_2, %add3A_1247 : i32
      %mul3A_1291 = arith.constant 80 : i32
      %mul3A_1292 = arith.muli %add3A_1290, %mul3A_1291 : i32
      %dma_start3A_1293 = arith.constant 5 : i32
      %dma_start3A_1294 = arith.constant 0 : i32
      %dma_start3A_1295 = arith.constant 0 : i32
      %dma_start3A_1296 = tpu.memref_slice %arg6[%dma_start3A_1293, %dma_start3A_1294, %dma_start3A_1295] : memref<8x80x128xf32, #tpu.memory_space<vmem>> -> memref<1x80x128xf32, #tpu.memory_space<vmem>>
      %dma_start3A_1297 = tpu.memref_squeeze %dma_start3A_1296 : memref<1x80x128xf32, #tpu.memory_space<vmem>> -> memref<80x128xf32, #tpu.memory_space<vmem>>
      %dma_start3A_1298 = arith.constant 0 : i32
      %dma_start3A_1299 = tpu.memref_slice %arg4[%mul3A_1292, %dma_start3A_1298] : memref<327680x128xf32, #tpu.memory_space<hbm>> -> memref<80x128xf32, #tpu.memory_space<hbm>>
      %dma_start3A_1300 = arith.constant 0 : i32
      %dma_start3A_1301 = tpu.memref_slice %arg4[%mul3A_1292, %dma_start3A_1300] : memref<327680x128xf32, #tpu.memory_space<hbm>> -> memref<80x128xf32, #tpu.memory_space<hbm>>
      %dma_start3A_1302 = arith.constant 0 : i32
      %dma_start3A_1303 = arith.constant 0 : i32
      %dma_start3A_1304 = tpu.memref_slice %arg6[%dma_start3A_1293, %dma_start3A_1302, %dma_start3A_1303] : memref<8x80x128xf32, #tpu.memory_space<vmem>> -> memref<1x80x128xf32, #tpu.memory_space<vmem>>
      %dma_start3A_1305 = tpu.memref_squeeze %dma_start3A_1304 : memref<1x80x128xf32, #tpu.memory_space<vmem>> -> memref<80x128xf32, #tpu.memory_space<vmem>>
      tpu.enqueue_dma source(%dma_start3A_1305 : memref<80x128xf32, #tpu.memory_space<vmem>>) target(%dma_start3A_1301 : memref<80x128xf32, #tpu.memory_space<hbm>>) target_semaphore(%arg20 : memref<!tpu.dma_semaphore, #tpu.memory_space<semaphore_mem>>)
      %mul3A_1306 = arith.constant 8 : i32
      %mul3A_1307 = arith.muli %scan3A_934, %mul3A_1306 : i32
      %add3A_1308 = arith.constant 6 : i32
      %add3A_1309 = arith.addi %mul3A_1307, %add3A_1308 : i32
      %sub3A_1310 = arith.constant 4 : i32
      %sub3A_1311 = arith.subi %add3A_1309, %sub3A_1310 : i32
      %add3A_1312 = arith.addi %mul3A_2, %sub3A_1311 : i32
      %mul3A_1313 = arith.constant 80 : i32
      %mul3A_1314 = arith.muli %add3A_1312, %mul3A_1313 : i32
      %dma_wait3A_1315 = arith.constant 2 : i32
      %dma_wait3A_1316 = arith.constant 0 : i32
      %dma_wait3A_1317 = arith.constant 0 : i32
      %dma_wait3A_1318 = tpu.memref_slice %arg6[%dma_wait3A_1315, %dma_wait3A_1316, %dma_wait3A_1317] : memref<8x80x128xf32, #tpu.memory_space<vmem>> -> memref<1x80x128xf32, #tpu.memory_space<vmem>>
      %dma_wait3A_1319 = tpu.memref_squeeze %dma_wait3A_1318 : memref<1x80x128xf32, #tpu.memory_space<vmem>> -> memref<80x128xf32, #tpu.memory_space<vmem>>
      %dma_wait3A_1320 = arith.constant 0 : i32
      %dma_wait3A_1321 = tpu.memref_slice %arg4[%mul3A_1314, %dma_wait3A_1320] : memref<327680x128xf32, #tpu.memory_space<hbm>> -> memref<80x128xf32, #tpu.memory_space<hbm>>
      %dma_wait3A_1322 = arith.constant 0 : i32
      %dma_wait3A_1323 = tpu.memref_slice %arg4[%mul3A_1314, %dma_wait3A_1322] : memref<327680x128xf32, #tpu.memory_space<hbm>> -> memref<80x128xf32, #tpu.memory_space<hbm>>
      %dma_wait3A_1324 = arith.constant 0 : i32
      %dma_wait3A_1325 = arith.constant 0 : i32
      %dma_wait3A_1326 = tpu.memref_slice %arg6[%dma_wait3A_1315, %dma_wait3A_1324, %dma_wait3A_1325] : memref<8x80x128xf32, #tpu.memory_space<vmem>> -> memref<1x80x128xf32, #tpu.memory_space<vmem>>
      %dma_wait3A_1327 = tpu.memref_squeeze %dma_wait3A_1326 : memref<1x80x128xf32, #tpu.memory_space<vmem>> -> memref<80x128xf32, #tpu.memory_space<vmem>>
      tpu.wait_dma2 semaphore(%arg17 : memref<!tpu.dma_semaphore, #tpu.memory_space<semaphore_mem>>) src(%dma_wait3A_1327 : memref<80x128xf32, #tpu.memory_space<vmem>>) dst(%dma_wait3A_1323 : memref<80x128xf32, #tpu.memory_space<hbm>>)
      %add3A_1328 = arith.constant 4 : i32
      %add3A_1329 = arith.addi %add3A_1309, %add3A_1328 : i32
      %dma_start3A_1330 = arith.constant 2 : i32
      %dma_start3A_1331 = arith.constant 0 : i32
      %dma_start3A_1332 = arith.constant 0 : i32
      %dma_start3A_1333 = tpu.memref_slice %arg6[%dma_start3A_1330, %dma_start3A_1331, %dma_start3A_1332] : memref<8x80x128xf32, #tpu.memory_space<vmem>> -> memref<1x77x128xf32, #tpu.memory_space<vmem>>
      %dma_start3A_1334 = tpu.memref_squeeze %dma_start3A_1333 : memref<1x77x128xf32, #tpu.memory_space<vmem>> -> memref<77x128xf32, #tpu.memory_space<vmem>>
      %dma_start3A_1335 = arith.constant 0 : i32
      %dma_start3A_1336 = tpu.memref_slice %arg5[%add3A_1329, %dma_start3A_1335] : memref<128x77xi32, #tpu.memory_space<vmem>> -> memref<1x77xi32, #tpu.memory_space<vmem>>
      %dma_start3A_1337 = tpu.memref_squeeze %dma_start3A_1336 : memref<1x77xi32, #tpu.memory_space<vmem>> -> memref<77xi32, #tpu.memory_space<vmem>>
      %dma_start3A_1338 = arith.constant 0 : i32
      %dma_start3A_1339 = arith.constant 0 : i32
      %dma_start3A_1340 = tpu.memref_slice %arg3[%dma_start3A_1338, %dma_start3A_1339] : memref<100000x128xf32, #tpu.memory_space<hbm>> -> memref<100000x128xf32, #tpu.memory_space<hbm>>
      tpu.enqueue_indirect_dma source(%dma_start3A_1340 : memref<100000x128xf32, #tpu.memory_space<hbm>>) target(%dma_start3A_1334 : memref<77x128xf32, #tpu.memory_space<vmem>>) offsets(%dma_start3A_1337 : memref<77xi32, #tpu.memory_space<vmem>>) semaphore(%arg9 : memref<!tpu.dma_semaphore, #tpu.memory_space<semaphore_mem>>)
      %dma_wait3A_1341 = arith.constant 6 : i32
      %dma_wait3A_1342 = arith.constant 0 : i32
      %dma_wait3A_1343 = arith.constant 0 : i32
      %dma_wait3A_1344 = tpu.memref_slice %arg6[%dma_wait3A_1341, %dma_wait3A_1342, %dma_wait3A_1343] : memref<8x80x128xf32, #tpu.memory_space<vmem>> -> memref<1x77x128xf32, #tpu.memory_space<vmem>>
      %dma_wait3A_1345 = tpu.memref_squeeze %dma_wait3A_1344 : memref<1x77x128xf32, #tpu.memory_space<vmem>> -> memref<77x128xf32, #tpu.memory_space<vmem>>
      %dma_wait3A_1346 = arith.constant 0 : i32
      %dma_wait3A_1347 = tpu.memref_slice %arg5[%add3A_1309, %dma_wait3A_1346] : memref<128x77xi32, #tpu.memory_space<vmem>> -> memref<1x77xi32, #tpu.memory_space<vmem>>
      %dma_wait3A_1348 = tpu.memref_squeeze %dma_wait3A_1347 : memref<1x77xi32, #tpu.memory_space<vmem>> -> memref<77xi32, #tpu.memory_space<vmem>>
      %dma_wait3A_1349 = arith.constant 0 : i32
      %dma_wait3A_1350 = arith.constant 0 : i32
      %dma_wait3A_1351 = tpu.memref_slice %arg3[%dma_wait3A_1349, %dma_wait3A_1350] : memref<100000x128xf32, #tpu.memory_space<hbm>> -> memref<100000x128xf32, #tpu.memory_space<hbm>>
      tpu.wait_indirect_dma semaphore(%arg13 : memref<!tpu.dma_semaphore, #tpu.memory_space<semaphore_mem>>) src(%dma_wait3A_1351 : memref<100000x128xf32, #tpu.memory_space<hbm>>) dst(%dma_wait3A_1345 : memref<77x128xf32, #tpu.memory_space<vmem>>)
      %add3A_1352 = arith.addi %mul3A_2, %add3A_1309 : i32
      %mul3A_1353 = arith.constant 80 : i32
      %mul3A_1354 = arith.muli %add3A_1352, %mul3A_1353 : i32
      %dma_start3A_1355 = arith.constant 6 : i32
      %dma_start3A_1356 = arith.constant 0 : i32
      %dma_start3A_1357 = arith.constant 0 : i32
      %dma_start3A_1358 = tpu.memref_slice %arg6[%dma_start3A_1355, %dma_start3A_1356, %dma_start3A_1357] : memref<8x80x128xf32, #tpu.memory_space<vmem>> -> memref<1x80x128xf32, #tpu.memory_space<vmem>>
      %dma_start3A_1359 = tpu.memref_squeeze %dma_start3A_1358 : memref<1x80x128xf32, #tpu.memory_space<vmem>> -> memref<80x128xf32, #tpu.memory_space<vmem>>
      %dma_start3A_1360 = arith.constant 0 : i32
      %dma_start3A_1361 = tpu.memref_slice %arg4[%mul3A_1354, %dma_start3A_1360] : memref<327680x128xf32, #tpu.memory_space<hbm>> -> memref<80x128xf32, #tpu.memory_space<hbm>>
      %dma_start3A_1362 = arith.constant 0 : i32
      %dma_start3A_1363 = tpu.memref_slice %arg4[%mul3A_1354, %dma_start3A_1362] : memref<327680x128xf32, #tpu.memory_space<hbm>> -> memref<80x128xf32, #tpu.memory_space<hbm>>
      %dma_start3A_1364 = arith.constant 0 : i32
      %dma_start3A_1365 = arith.constant 0 : i32
      %dma_start3A_1366 = tpu.memref_slice %arg6[%dma_start3A_1355, %dma_start3A_1364, %dma_start3A_1365] : memref<8x80x128xf32, #tpu.memory_space<vmem>> -> memref<1x80x128xf32, #tpu.memory_space<vmem>>
      %dma_start3A_1367 = tpu.memref_squeeze %dma_start3A_1366 : memref<1x80x128xf32, #tpu.memory_space<vmem>> -> memref<80x128xf32, #tpu.memory_space<vmem>>
      tpu.enqueue_dma source(%dma_start3A_1367 : memref<80x128xf32, #tpu.memory_space<vmem>>) target(%dma_start3A_1363 : memref<80x128xf32, #tpu.memory_space<hbm>>) target_semaphore(%arg21 : memref<!tpu.dma_semaphore, #tpu.memory_space<semaphore_mem>>)
      %mul3A_1368 = arith.constant 8 : i32
      %mul3A_1369 = arith.muli %scan3A_934, %mul3A_1368 : i32
      %add3A_1370 = arith.constant 7 : i32
      %add3A_1371 = arith.addi %mul3A_1369, %add3A_1370 : i32
      %sub3A_1372 = arith.constant 4 : i32
      %sub3A_1373 = arith.subi %add3A_1371, %sub3A_1372 : i32
      %add3A_1374 = arith.addi %mul3A_2, %sub3A_1373 : i32
      %mul3A_1375 = arith.constant 80 : i32
      %mul3A_1376 = arith.muli %add3A_1374, %mul3A_1375 : i32
      %dma_wait3A_1377 = arith.constant 3 : i32
      %dma_wait3A_1378 = arith.constant 0 : i32
      %dma_wait3A_1379 = arith.constant 0 : i32
      %dma_wait3A_1380 = tpu.memref_slice %arg6[%dma_wait3A_1377, %dma_wait3A_1378, %dma_wait3A_1379] : memref<8x80x128xf32, #tpu.memory_space<vmem>> -> memref<1x80x128xf32, #tpu.memory_space<vmem>>
      %dma_wait3A_1381 = tpu.memref_squeeze %dma_wait3A_1380 : memref<1x80x128xf32, #tpu.memory_space<vmem>> -> memref<80x128xf32, #tpu.memory_space<vmem>>
      %dma_wait3A_1382 = arith.constant 0 : i32
      %dma_wait3A_1383 = tpu.memref_slice %arg4[%mul3A_1376, %dma_wait3A_1382] : memref<327680x128xf32, #tpu.memory_space<hbm>> -> memref<80x128xf32, #tpu.memory_space<hbm>>
      %dma_wait3A_1384 = arith.constant 0 : i32
      %dma_wait3A_1385 = tpu.memref_slice %arg4[%mul3A_1376, %dma_wait3A_1384] : memref<327680x128xf32, #tpu.memory_space<hbm>> -> memref<80x128xf32, #tpu.memory_space<hbm>>
      %dma_wait3A_1386 = arith.constant 0 : i32
      %dma_wait3A_1387 = arith.constant 0 : i32
      %dma_wait3A_1388 = tpu.memref_slice %arg6[%dma_wait3A_1377, %dma_wait3A_1386, %dma_wait3A_1387] : memref<8x80x128xf32, #tpu.memory_space<vmem>> -> memref<1x80x128xf32, #tpu.memory_space<vmem>>
      %dma_wait3A_1389 = tpu.memref_squeeze %dma_wait3A_1388 : memref<1x80x128xf32, #tpu.memory_space<vmem>> -> memref<80x128xf32, #tpu.memory_space<vmem>>
      tpu.wait_dma2 semaphore(%arg18 : memref<!tpu.dma_semaphore, #tpu.memory_space<semaphore_mem>>) src(%dma_wait3A_1389 : memref<80x128xf32, #tpu.memory_space<vmem>>) dst(%dma_wait3A_1385 : memref<80x128xf32, #tpu.memory_space<hbm>>)
      %add3A_1390 = arith.constant 4 : i32
      %add3A_1391 = arith.addi %add3A_1371, %add3A_1390 : i32
      %dma_start3A_1392 = arith.constant 3 : i32
      %dma_start3A_1393 = arith.constant 0 : i32
      %dma_start3A_1394 = arith.constant 0 : i32
      %dma_start3A_1395 = tpu.memref_slice %arg6[%dma_start3A_1392, %dma_start3A_1393, %dma_start3A_1394] : memref<8x80x128xf32, #tpu.memory_space<vmem>> -> memref<1x77x128xf32, #tpu.memory_space<vmem>>
      %dma_start3A_1396 = tpu.memref_squeeze %dma_start3A_1395 : memref<1x77x128xf32, #tpu.memory_space<vmem>> -> memref<77x128xf32, #tpu.memory_space<vmem>>
      %dma_start3A_1397 = arith.constant 0 : i32
      %dma_start3A_1398 = tpu.memref_slice %arg5[%add3A_1391, %dma_start3A_1397] : memref<128x77xi32, #tpu.memory_space<vmem>> -> memref<1x77xi32, #tpu.memory_space<vmem>>
      %dma_start3A_1399 = tpu.memref_squeeze %dma_start3A_1398 : memref<1x77xi32, #tpu.memory_space<vmem>> -> memref<77xi32, #tpu.memory_space<vmem>>
      %dma_start3A_1400 = arith.constant 0 : i32
      %dma_start3A_1401 = arith.constant 0 : i32
      %dma_start3A_1402 = tpu.memref_slice %arg3[%dma_start3A_1400, %dma_start3A_1401] : memref<100000x128xf32, #tpu.memory_space<hbm>> -> memref<100000x128xf32, #tpu.memory_space<hbm>>
      tpu.enqueue_indirect_dma source(%dma_start3A_1402 : memref<100000x128xf32, #tpu.memory_space<hbm>>) target(%dma_start3A_1396 : memref<77x128xf32, #tpu.memory_space<vmem>>) offsets(%dma_start3A_1399 : memref<77xi32, #tpu.memory_space<vmem>>) semaphore(%arg10 : memref<!tpu.dma_semaphore, #tpu.memory_space<semaphore_mem>>)
      %dma_wait3A_1403 = arith.constant 7 : i32
      %dma_wait3A_1404 = arith.constant 0 : i32
      %dma_wait3A_1405 = arith.constant 0 : i32
      %dma_wait3A_1406 = tpu.memref_slice %arg6[%dma_wait3A_1403, %dma_wait3A_1404, %dma_wait3A_1405] : memref<8x80x128xf32, #tpu.memory_space<vmem>> -> memref<1x77x128xf32, #tpu.memory_space<vmem>>
      %dma_wait3A_1407 = tpu.memref_squeeze %dma_wait3A_1406 : memref<1x77x128xf32, #tpu.memory_space<vmem>> -> memref<77x128xf32, #tpu.memory_space<vmem>>
      %dma_wait3A_1408 = arith.constant 0 : i32
      %dma_wait3A_1409 = tpu.memref_slice %arg5[%add3A_1371, %dma_wait3A_1408] : memref<128x77xi32, #tpu.memory_space<vmem>> -> memref<1x77xi32, #tpu.memory_space<vmem>>
      %dma_wait3A_1410 = tpu.memref_squeeze %dma_wait3A_1409 : memref<1x77xi32, #tpu.memory_space<vmem>> -> memref<77xi32, #tpu.memory_space<vmem>>
      %dma_wait3A_1411 = arith.constant 0 : i32
      %dma_wait3A_1412 = arith.constant 0 : i32
      %dma_wait3A_1413 = tpu.memref_slice %arg3[%dma_wait3A_1411, %dma_wait3A_1412] : memref<100000x128xf32, #tpu.memory_space<hbm>> -> memref<100000x128xf32, #tpu.memory_space<hbm>>
      tpu.wait_indirect_dma semaphore(%arg14 : memref<!tpu.dma_semaphore, #tpu.memory_space<semaphore_mem>>) src(%dma_wait3A_1413 : memref<100000x128xf32, #tpu.memory_space<hbm>>) dst(%dma_wait3A_1407 : memref<77x128xf32, #tpu.memory_space<vmem>>)
      %add3A_1414 = arith.addi %mul3A_2, %add3A_1371 : i32
      %mul3A_1415 = arith.constant 80 : i32
      %mul3A_1416 = arith.muli %add3A_1414, %mul3A_1415 : i32
      %dma_start3A_1417 = arith.constant 7 : i32
      %dma_start3A_1418 = arith.constant 0 : i32
      %dma_start3A_1419 = arith.constant 0 : i32
      %dma_start3A_1420 = tpu.memref_slice %arg6[%dma_start3A_1417, %dma_start3A_1418, %dma_start3A_1419] : memref<8x80x128xf32, #tpu.memory_space<vmem>> -> memref<1x80x128xf32, #tpu.memory_space<vmem>>
      %dma_start3A_1421 = tpu.memref_squeeze %dma_start3A_1420 : memref<1x80x128xf32, #tpu.memory_space<vmem>> -> memref<80x128xf32, #tpu.memory_space<vmem>>
      %dma_start3A_1422 = arith.constant 0 : i32
      %dma_start3A_1423 = tpu.memref_slice %arg4[%mul3A_1416, %dma_start3A_1422] : memref<327680x128xf32, #tpu.memory_space<hbm>> -> memref<80x128xf32, #tpu.memory_space<hbm>>
      %dma_start3A_1424 = arith.constant 0 : i32
      %dma_start3A_1425 = tpu.memref_slice %arg4[%mul3A_1416, %dma_start3A_1424] : memref<327680x128xf32, #tpu.memory_space<hbm>> -> memref<80x128xf32, #tpu.memory_space<hbm>>
      %dma_start3A_1426 = arith.constant 0 : i32
      %dma_start3A_1427 = arith.constant 0 : i32
      %dma_start3A_1428 = tpu.memref_slice %arg6[%dma_start3A_1417, %dma_start3A_1426, %dma_start3A_1427] : memref<8x80x128xf32, #tpu.memory_space<vmem>> -> memref<1x80x128xf32, #tpu.memory_space<vmem>>
      %dma_start3A_1429 = tpu.memref_squeeze %dma_start3A_1428 : memref<1x80x128xf32, #tpu.memory_space<vmem>> -> memref<80x128xf32, #tpu.memory_space<vmem>>
      tpu.enqueue_dma source(%dma_start3A_1429 : memref<80x128xf32, #tpu.memory_space<vmem>>) target(%dma_start3A_1425 : memref<80x128xf32, #tpu.memory_space<hbm>>) target_semaphore(%arg22 : memref<!tpu.dma_semaphore, #tpu.memory_space<semaphore_mem>>)
    }
    %scan3A_449 = arith.constant 14 : i32
    %add3A_450 = arith.constant 116 : i32
    %add3A_451 = arith.addi %mul3A_2, %add3A_450 : i32
    %mul3A_452 = arith.constant 80 : i32
    %mul3A_453 = arith.muli %add3A_451, %mul3A_452 : i32
    %dma_wait3A_454 = arith.constant 4 : i32
    %dma_wait3A_455 = arith.constant 0 : i32
    %dma_wait3A_456 = arith.constant 0 : i32
    %dma_wait3A_457 = tpu.memref_slice %arg6[%dma_wait3A_454, %dma_wait3A_455, %dma_wait3A_456] : memref<8x80x128xf32, #tpu.memory_space<vmem>> -> memref<1x80x128xf32, #tpu.memory_space<vmem>>
    %dma_wait3A_458 = tpu.memref_squeeze %dma_wait3A_457 : memref<1x80x128xf32, #tpu.memory_space<vmem>> -> memref<80x128xf32, #tpu.memory_space<vmem>>
    %dma_wait3A_459 = arith.constant 0 : i32
    %dma_wait3A_460 = tpu.memref_slice %arg4[%mul3A_453, %dma_wait3A_459] : memref<327680x128xf32, #tpu.memory_space<hbm>> -> memref<80x128xf32, #tpu.memory_space<hbm>>
    %dma_wait3A_461 = arith.constant 0 : i32
    %dma_wait3A_462 = tpu.memref_slice %arg4[%mul3A_453, %dma_wait3A_461] : memref<327680x128xf32, #tpu.memory_space<hbm>> -> memref<80x128xf32, #tpu.memory_space<hbm>>
    %dma_wait3A_463 = arith.constant 0 : i32
    %dma_wait3A_464 = arith.constant 0 : i32
    %dma_wait3A_465 = tpu.memref_slice %arg6[%dma_wait3A_454, %dma_wait3A_463, %dma_wait3A_464] : memref<8x80x128xf32, #tpu.memory_space<vmem>> -> memref<1x80x128xf32, #tpu.memory_space<vmem>>
    %dma_wait3A_466 = tpu.memref_squeeze %dma_wait3A_465 : memref<1x80x128xf32, #tpu.memory_space<vmem>> -> memref<80x128xf32, #tpu.memory_space<vmem>>
    tpu.wait_dma2 semaphore(%arg19 : memref<!tpu.dma_semaphore, #tpu.memory_space<semaphore_mem>>) src(%dma_wait3A_466 : memref<80x128xf32, #tpu.memory_space<vmem>>) dst(%dma_wait3A_462 : memref<80x128xf32, #tpu.memory_space<hbm>>)
    %dma_start3A_467 = arith.constant 124 : i32
    %dma_start3A_468 = arith.constant 4 : i32
    %dma_start3A_469 = arith.constant 0 : i32
    %dma_start3A_470 = arith.constant 0 : i32
    %dma_start3A_471 = tpu.memref_slice %arg6[%dma_start3A_468, %dma_start3A_469, %dma_start3A_470] : memref<8x80x128xf32, #tpu.memory_space<vmem>> -> memref<1x77x128xf32, #tpu.memory_space<vmem>>
    %dma_start3A_472 = tpu.memref_squeeze %dma_start3A_471 : memref<1x77x128xf32, #tpu.memory_space<vmem>> -> memref<77x128xf32, #tpu.memory_space<vmem>>
    %dma_start3A_473 = arith.constant 0 : i32
    %dma_start3A_474 = tpu.memref_slice %arg5[%dma_start3A_467, %dma_start3A_473] : memref<128x77xi32, #tpu.memory_space<vmem>> -> memref<1x77xi32, #tpu.memory_space<vmem>>
    %dma_start3A_475 = tpu.memref_squeeze %dma_start3A_474 : memref<1x77xi32, #tpu.memory_space<vmem>> -> memref<77xi32, #tpu.memory_space<vmem>>
    %dma_start3A_476 = arith.constant 0 : i32
    %dma_start3A_477 = arith.constant 0 : i32
    %dma_start3A_478 = tpu.memref_slice %arg3[%dma_start3A_476, %dma_start3A_477] : memref<100000x128xf32, #tpu.memory_space<hbm>> -> memref<100000x128xf32, #tpu.memory_space<hbm>>
    tpu.enqueue_indirect_dma source(%dma_start3A_478 : memref<100000x128xf32, #tpu.memory_space<hbm>>) target(%dma_start3A_472 : memref<77x128xf32, #tpu.memory_space<vmem>>) offsets(%dma_start3A_475 : memref<77xi32, #tpu.memory_space<vmem>>) semaphore(%arg11 : memref<!tpu.dma_semaphore, #tpu.memory_space<semaphore_mem>>)
    %dma_wait3A_479 = arith.constant 120 : i32
    %dma_wait3A_480 = arith.constant 0 : i32
    %dma_wait3A_481 = arith.constant 0 : i32
    %dma_wait3A_482 = arith.constant 0 : i32
    %dma_wait3A_483 = tpu.memref_slice %arg6[%dma_wait3A_480, %dma_wait3A_481, %dma_wait3A_482] : memref<8x80x128xf32, #tpu.memory_space<vmem>> -> memref<1x77x128xf32, #tpu.memory_space<vmem>>
    %dma_wait3A_484 = tpu.memref_squeeze %dma_wait3A_483 : memref<1x77x128xf32, #tpu.memory_space<vmem>> -> memref<77x128xf32, #tpu.memory_space<vmem>>
    %dma_wait3A_485 = arith.constant 0 : i32
    %dma_wait3A_486 = tpu.memref_slice %arg5[%dma_wait3A_479, %dma_wait3A_485] : memref<128x77xi32, #tpu.memory_space<vmem>> -> memref<1x77xi32, #tpu.memory_space<vmem>>
    %dma_wait3A_487 = tpu.memref_squeeze %dma_wait3A_486 : memref<1x77xi32, #tpu.memory_space<vmem>> -> memref<77xi32, #tpu.memory_space<vmem>>
    %dma_wait3A_488 = arith.constant 0 : i32
    %dma_wait3A_489 = arith.constant 0 : i32
    %dma_wait3A_490 = tpu.memref_slice %arg3[%dma_wait3A_488, %dma_wait3A_489] : memref<100000x128xf32, #tpu.memory_space<hbm>> -> memref<100000x128xf32, #tpu.memory_space<hbm>>
    tpu.wait_indirect_dma semaphore(%arg7 : memref<!tpu.dma_semaphore, #tpu.memory_space<semaphore_mem>>) src(%dma_wait3A_490 : memref<100000x128xf32, #tpu.memory_space<hbm>>) dst(%dma_wait3A_484 : memref<77x128xf32, #tpu.memory_space<vmem>>)
    %add3A_491 = arith.constant 120 : i32
    %add3A_492 = arith.addi %mul3A_2, %add3A_491 : i32
    %mul3A_493 = arith.constant 80 : i32
    %mul3A_494 = arith.muli %add3A_492, %mul3A_493 : i32
    %dma_start3A_495 = arith.constant 0 : i32
    %dma_start3A_496 = arith.constant 0 : i32
    %dma_start3A_497 = arith.constant 0 : i32
    %dma_start3A_498 = tpu.memref_slice %arg6[%dma_start3A_495, %dma_start3A_496, %dma_start3A_497] : memref<8x80x128xf32, #tpu.memory_space<vmem>> -> memref<1x80x128xf32, #tpu.memory_space<vmem>>
    %dma_start3A_499 = tpu.memref_squeeze %dma_start3A_498 : memref<1x80x128xf32, #tpu.memory_space<vmem>> -> memref<80x128xf32, #tpu.memory_space<vmem>>
    %dma_start3A_500 = arith.constant 0 : i32
    %dma_start3A_501 = tpu.memref_slice %arg4[%mul3A_494, %dma_start3A_500] : memref<327680x128xf32, #tpu.memory_space<hbm>> -> memref<80x128xf32, #tpu.memory_space<hbm>>
    %dma_start3A_502 = arith.constant 0 : i32
    %dma_start3A_503 = tpu.memref_slice %arg4[%mul3A_494, %dma_start3A_502] : memref<327680x128xf32, #tpu.memory_space<hbm>> -> memref<80x128xf32, #tpu.memory_space<hbm>>
    %dma_start3A_504 = arith.constant 0 : i32
    %dma_start3A_505 = arith.constant 0 : i32
    %dma_start3A_506 = tpu.memref_slice %arg6[%dma_start3A_495, %dma_start3A_504, %dma_start3A_505] : memref<8x80x128xf32, #tpu.memory_space<vmem>> -> memref<1x80x128xf32, #tpu.memory_space<vmem>>
    %dma_start3A_507 = tpu.memref_squeeze %dma_start3A_506 : memref<1x80x128xf32, #tpu.memory_space<vmem>> -> memref<80x128xf32, #tpu.memory_space<vmem>>
    tpu.enqueue_dma source(%dma_start3A_507 : memref<80x128xf32, #tpu.memory_space<vmem>>) target(%dma_start3A_503 : memref<80x128xf32, #tpu.memory_space<hbm>>) target_semaphore(%arg15 : memref<!tpu.dma_semaphore, #tpu.memory_space<semaphore_mem>>)
    %add3A_508 = arith.constant 117 : i32
    %add3A_509 = arith.addi %mul3A_2, %add3A_508 : i32
    %mul3A_510 = arith.constant 80 : i32
    %mul3A_511 = arith.muli %add3A_509, %mul3A_510 : i32
    %dma_wait3A_512 = arith.constant 5 : i32
    %dma_wait3A_513 = arith.constant 0 : i32
    %dma_wait3A_514 = arith.constant 0 : i32
    %dma_wait3A_515 = tpu.memref_slice %arg6[%dma_wait3A_512, %dma_wait3A_513, %dma_wait3A_514] : memref<8x80x128xf32, #tpu.memory_space<vmem>> -> memref<1x80x128xf32, #tpu.memory_space<vmem>>
    %dma_wait3A_516 = tpu.memref_squeeze %dma_wait3A_515 : memref<1x80x128xf32, #tpu.memory_space<vmem>> -> memref<80x128xf32, #tpu.memory_space<vmem>>
    %dma_wait3A_517 = arith.constant 0 : i32
    %dma_wait3A_518 = tpu.memref_slice %arg4[%mul3A_511, %dma_wait3A_517] : memref<327680x128xf32, #tpu.memory_space<hbm>> -> memref<80x128xf32, #tpu.memory_space<hbm>>
    %dma_wait3A_519 = arith.constant 0 : i32
    %dma_wait3A_520 = tpu.memref_slice %arg4[%mul3A_511, %dma_wait3A_519] : memref<327680x128xf32, #tpu.memory_space<hbm>> -> memref<80x128xf32, #tpu.memory_space<hbm>>
    %dma_wait3A_521 = arith.constant 0 : i32
    %dma_wait3A_522 = arith.constant 0 : i32
    %dma_wait3A_523 = tpu.memref_slice %arg6[%dma_wait3A_512, %dma_wait3A_521, %dma_wait3A_522] : memref<8x80x128xf32, #tpu.memory_space<vmem>> -> memref<1x80x128xf32, #tpu.memory_space<vmem>>
    %dma_wait3A_524 = tpu.memref_squeeze %dma_wait3A_523 : memref<1x80x128xf32, #tpu.memory_space<vmem>> -> memref<80x128xf32, #tpu.memory_space<vmem>>
    tpu.wait_dma2 semaphore(%arg20 : memref<!tpu.dma_semaphore, #tpu.memory_space<semaphore_mem>>) src(%dma_wait3A_524 : memref<80x128xf32, #tpu.memory_space<vmem>>) dst(%dma_wait3A_520 : memref<80x128xf32, #tpu.memory_space<hbm>>)
    %dma_start3A_525 = arith.constant 125 : i32
    %dma_start3A_526 = arith.constant 5 : i32
    %dma_start3A_527 = arith.constant 0 : i32
    %dma_start3A_528 = arith.constant 0 : i32
    %dma_start3A_529 = tpu.memref_slice %arg6[%dma_start3A_526, %dma_start3A_527, %dma_start3A_528] : memref<8x80x128xf32, #tpu.memory_space<vmem>> -> memref<1x77x128xf32, #tpu.memory_space<vmem>>
    %dma_start3A_530 = tpu.memref_squeeze %dma_start3A_529 : memref<1x77x128xf32, #tpu.memory_space<vmem>> -> memref<77x128xf32, #tpu.memory_space<vmem>>
    %dma_start3A_531 = arith.constant 0 : i32
    %dma_start3A_532 = tpu.memref_slice %arg5[%dma_start3A_525, %dma_start3A_531] : memref<128x77xi32, #tpu.memory_space<vmem>> -> memref<1x77xi32, #tpu.memory_space<vmem>>
    %dma_start3A_533 = tpu.memref_squeeze %dma_start3A_532 : memref<1x77xi32, #tpu.memory_space<vmem>> -> memref<77xi32, #tpu.memory_space<vmem>>
    %dma_start3A_534 = arith.constant 0 : i32
    %dma_start3A_535 = arith.constant 0 : i32
    %dma_start3A_536 = tpu.memref_slice %arg3[%dma_start3A_534, %dma_start3A_535] : memref<100000x128xf32, #tpu.memory_space<hbm>> -> memref<100000x128xf32, #tpu.memory_space<hbm>>
    tpu.enqueue_indirect_dma source(%dma_start3A_536 : memref<100000x128xf32, #tpu.memory_space<hbm>>) target(%dma_start3A_530 : memref<77x128xf32, #tpu.memory_space<vmem>>) offsets(%dma_start3A_533 : memref<77xi32, #tpu.memory_space<vmem>>) semaphore(%arg12 : memref<!tpu.dma_semaphore, #tpu.memory_space<semaphore_mem>>)
    %dma_wait3A_537 = arith.constant 121 : i32
    %dma_wait3A_538 = arith.constant 1 : i32
    %dma_wait3A_539 = arith.constant 0 : i32
    %dma_wait3A_540 = arith.constant 0 : i32
    %dma_wait3A_541 = tpu.memref_slice %arg6[%dma_wait3A_538, %dma_wait3A_539, %dma_wait3A_540] : memref<8x80x128xf32, #tpu.memory_space<vmem>> -> memref<1x77x128xf32, #tpu.memory_space<vmem>>
    %dma_wait3A_542 = tpu.memref_squeeze %dma_wait3A_541 : memref<1x77x128xf32, #tpu.memory_space<vmem>> -> memref<77x128xf32, #tpu.memory_space<vmem>>
    %dma_wait3A_543 = arith.constant 0 : i32
    %dma_wait3A_544 = tpu.memref_slice %arg5[%dma_wait3A_537, %dma_wait3A_543] : memref<128x77xi32, #tpu.memory_space<vmem>> -> memref<1x77xi32, #tpu.memory_space<vmem>>
    %dma_wait3A_545 = tpu.memref_squeeze %dma_wait3A_544 : memref<1x77xi32, #tpu.memory_space<vmem>> -> memref<77xi32, #tpu.memory_space<vmem>>
    %dma_wait3A_546 = arith.constant 0 : i32
    %dma_wait3A_547 = arith.constant 0 : i32
    %dma_wait3A_548 = tpu.memref_slice %arg3[%dma_wait3A_546, %dma_wait3A_547] : memref<100000x128xf32, #tpu.memory_space<hbm>> -> memref<100000x128xf32, #tpu.memory_space<hbm>>
    tpu.wait_indirect_dma semaphore(%arg8 : memref<!tpu.dma_semaphore, #tpu.memory_space<semaphore_mem>>) src(%dma_wait3A_548 : memref<100000x128xf32, #tpu.memory_space<hbm>>) dst(%dma_wait3A_542 : memref<77x128xf32, #tpu.memory_space<vmem>>)
    %add3A_549 = arith.constant 121 : i32
    %add3A_550 = arith.addi %mul3A_2, %add3A_549 : i32
    %mul3A_551 = arith.constant 80 : i32
    %mul3A_552 = arith.muli %add3A_550, %mul3A_551 : i32
    %dma_start3A_553 = arith.constant 1 : i32
    %dma_start3A_554 = arith.constant 0 : i32
    %dma_start3A_555 = arith.constant 0 : i32
    %dma_start3A_556 = tpu.memref_slice %arg6[%dma_start3A_553, %dma_start3A_554, %dma_start3A_555] : memref<8x80x128xf32, #tpu.memory_space<vmem>> -> memref<1x80x128xf32, #tpu.memory_space<vmem>>
    %dma_start3A_557 = tpu.memref_squeeze %dma_start3A_556 : memref<1x80x128xf32, #tpu.memory_space<vmem>> -> memref<80x128xf32, #tpu.memory_space<vmem>>
    %dma_start3A_558 = arith.constant 0 : i32
    %dma_start3A_559 = tpu.memref_slice %arg4[%mul3A_552, %dma_start3A_558] : memref<327680x128xf32, #tpu.memory_space<hbm>> -> memref<80x128xf32, #tpu.memory_space<hbm>>
    %dma_start3A_560 = arith.constant 0 : i32
    %dma_start3A_561 = tpu.memref_slice %arg4[%mul3A_552, %dma_start3A_560] : memref<327680x128xf32, #tpu.memory_space<hbm>> -> memref<80x128xf32, #tpu.memory_space<hbm>>
    %dma_start3A_562 = arith.constant 0 : i32
    %dma_start3A_563 = arith.constant 0 : i32
    %dma_start3A_564 = tpu.memref_slice %arg6[%dma_start3A_553, %dma_start3A_562, %dma_start3A_563] : memref<8x80x128xf32, #tpu.memory_space<vmem>> -> memref<1x80x128xf32, #tpu.memory_space<vmem>>
    %dma_start3A_565 = tpu.memref_squeeze %dma_start3A_564 : memref<1x80x128xf32, #tpu.memory_space<vmem>> -> memref<80x128xf32, #tpu.memory_space<vmem>>
    tpu.enqueue_dma source(%dma_start3A_565 : memref<80x128xf32, #tpu.memory_space<vmem>>) target(%dma_start3A_561 : memref<80x128xf32, #tpu.memory_space<hbm>>) target_semaphore(%arg16 : memref<!tpu.dma_semaphore, #tpu.memory_space<semaphore_mem>>)
    %add3A_566 = arith.constant 118 : i32
    %add3A_567 = arith.addi %mul3A_2, %add3A_566 : i32
    %mul3A_568 = arith.constant 80 : i32
    %mul3A_569 = arith.muli %add3A_567, %mul3A_568 : i32
    %dma_wait3A_570 = arith.constant 6 : i32
    %dma_wait3A_571 = arith.constant 0 : i32
    %dma_wait3A_572 = arith.constant 0 : i32
    %dma_wait3A_573 = tpu.memref_slice %arg6[%dma_wait3A_570, %dma_wait3A_571, %dma_wait3A_572] : memref<8x80x128xf32, #tpu.memory_space<vmem>> -> memref<1x80x128xf32, #tpu.memory_space<vmem>>
    %dma_wait3A_574 = tpu.memref_squeeze %dma_wait3A_573 : memref<1x80x128xf32, #tpu.memory_space<vmem>> -> memref<80x128xf32, #tpu.memory_space<vmem>>
    %dma_wait3A_575 = arith.constant 0 : i32
    %dma_wait3A_576 = tpu.memref_slice %arg4[%mul3A_569, %dma_wait3A_575] : memref<327680x128xf32, #tpu.memory_space<hbm>> -> memref<80x128xf32, #tpu.memory_space<hbm>>
    %dma_wait3A_577 = arith.constant 0 : i32
    %dma_wait3A_578 = tpu.memref_slice %arg4[%mul3A_569, %dma_wait3A_577] : memref<327680x128xf32, #tpu.memory_space<hbm>> -> memref<80x128xf32, #tpu.memory_space<hbm>>
    %dma_wait3A_579 = arith.constant 0 : i32
    %dma_wait3A_580 = arith.constant 0 : i32
    %dma_wait3A_581 = tpu.memref_slice %arg6[%dma_wait3A_570, %dma_wait3A_579, %dma_wait3A_580] : memref<8x80x128xf32, #tpu.memory_space<vmem>> -> memref<1x80x128xf32, #tpu.memory_space<vmem>>
    %dma_wait3A_582 = tpu.memref_squeeze %dma_wait3A_581 : memref<1x80x128xf32, #tpu.memory_space<vmem>> -> memref<80x128xf32, #tpu.memory_space<vmem>>
    tpu.wait_dma2 semaphore(%arg21 : memref<!tpu.dma_semaphore, #tpu.memory_space<semaphore_mem>>) src(%dma_wait3A_582 : memref<80x128xf32, #tpu.memory_space<vmem>>) dst(%dma_wait3A_578 : memref<80x128xf32, #tpu.memory_space<hbm>>)
    %dma_start3A_583 = arith.constant 126 : i32
    %dma_start3A_584 = arith.constant 6 : i32
    %dma_start3A_585 = arith.constant 0 : i32
    %dma_start3A_586 = arith.constant 0 : i32
    %dma_start3A_587 = tpu.memref_slice %arg6[%dma_start3A_584, %dma_start3A_585, %dma_start3A_586] : memref<8x80x128xf32, #tpu.memory_space<vmem>> -> memref<1x77x128xf32, #tpu.memory_space<vmem>>
    %dma_start3A_588 = tpu.memref_squeeze %dma_start3A_587 : memref<1x77x128xf32, #tpu.memory_space<vmem>> -> memref<77x128xf32, #tpu.memory_space<vmem>>
    %dma_start3A_589 = arith.constant 0 : i32
    %dma_start3A_590 = tpu.memref_slice %arg5[%dma_start3A_583, %dma_start3A_589] : memref<128x77xi32, #tpu.memory_space<vmem>> -> memref<1x77xi32, #tpu.memory_space<vmem>>
    %dma_start3A_591 = tpu.memref_squeeze %dma_start3A_590 : memref<1x77xi32, #tpu.memory_space<vmem>> -> memref<77xi32, #tpu.memory_space<vmem>>
    %dma_start3A_592 = arith.constant 0 : i32
    %dma_start3A_593 = arith.constant 0 : i32
    %dma_start3A_594 = tpu.memref_slice %arg3[%dma_start3A_592, %dma_start3A_593] : memref<100000x128xf32, #tpu.memory_space<hbm>> -> memref<100000x128xf32, #tpu.memory_space<hbm>>
    tpu.enqueue_indirect_dma source(%dma_start3A_594 : memref<100000x128xf32, #tpu.memory_space<hbm>>) target(%dma_start3A_588 : memref<77x128xf32, #tpu.memory_space<vmem>>) offsets(%dma_start3A_591 : memref<77xi32, #tpu.memory_space<vmem>>) semaphore(%arg13 : memref<!tpu.dma_semaphore, #tpu.memory_space<semaphore_mem>>)
    %dma_wait3A_595 = arith.constant 122 : i32
    %dma_wait3A_596 = arith.constant 2 : i32
    %dma_wait3A_597 = arith.constant 0 : i32
    %dma_wait3A_598 = arith.constant 0 : i32
    %dma_wait3A_599 = tpu.memref_slice %arg6[%dma_wait3A_596, %dma_wait3A_597, %dma_wait3A_598] : memref<8x80x128xf32, #tpu.memory_space<vmem>> -> memref<1x77x128xf32, #tpu.memory_space<vmem>>
    %dma_wait3A_600 = tpu.memref_squeeze %dma_wait3A_599 : memref<1x77x128xf32, #tpu.memory_space<vmem>> -> memref<77x128xf32, #tpu.memory_space<vmem>>
    %dma_wait3A_601 = arith.constant 0 : i32
    %dma_wait3A_602 = tpu.memref_slice %arg5[%dma_wait3A_595, %dma_wait3A_601] : memref<128x77xi32, #tpu.memory_space<vmem>> -> memref<1x77xi32, #tpu.memory_space<vmem>>
    %dma_wait3A_603 = tpu.memref_squeeze %dma_wait3A_602 : memref<1x77xi32, #tpu.memory_space<vmem>> -> memref<77xi32, #tpu.memory_space<vmem>>
    %dma_wait3A_604 = arith.constant 0 : i32
    %dma_wait3A_605 = arith.constant 0 : i32
    %dma_wait3A_606 = tpu.memref_slice %arg3[%dma_wait3A_604, %dma_wait3A_605] : memref<100000x128xf32, #tpu.memory_space<hbm>> -> memref<100000x128xf32, #tpu.memory_space<hbm>>
    tpu.wait_indirect_dma semaphore(%arg9 : memref<!tpu.dma_semaphore, #tpu.memory_space<semaphore_mem>>) src(%dma_wait3A_606 : memref<100000x128xf32, #tpu.memory_space<hbm>>) dst(%dma_wait3A_600 : memref<77x128xf32, #tpu.memory_space<vmem>>)
    %add3A_607 = arith.constant 122 : i32
    %add3A_608 = arith.addi %mul3A_2, %add3A_607 : i32
    %mul3A_609 = arith.constant 80 : i32
    %mul3A_610 = arith.muli %add3A_608, %mul3A_609 : i32
    %dma_start3A_611 = arith.constant 2 : i32
    %dma_start3A_612 = arith.constant 0 : i32
    %dma_start3A_613 = arith.constant 0 : i32
    %dma_start3A_614 = tpu.memref_slice %arg6[%dma_start3A_611, %dma_start3A_612, %dma_start3A_613] : memref<8x80x128xf32, #tpu.memory_space<vmem>> -> memref<1x80x128xf32, #tpu.memory_space<vmem>>
    %dma_start3A_615 = tpu.memref_squeeze %dma_start3A_614 : memref<1x80x128xf32, #tpu.memory_space<vmem>> -> memref<80x128xf32, #tpu.memory_space<vmem>>
    %dma_start3A_616 = arith.constant 0 : i32
    %dma_start3A_617 = tpu.memref_slice %arg4[%mul3A_610, %dma_start3A_616] : memref<327680x128xf32, #tpu.memory_space<hbm>> -> memref<80x128xf32, #tpu.memory_space<hbm>>
    %dma_start3A_618 = arith.constant 0 : i32
    %dma_start3A_619 = tpu.memref_slice %arg4[%mul3A_610, %dma_start3A_618] : memref<327680x128xf32, #tpu.memory_space<hbm>> -> memref<80x128xf32, #tpu.memory_space<hbm>>
    %dma_start3A_620 = arith.constant 0 : i32
    %dma_start3A_621 = arith.constant 0 : i32
    %dma_start3A_622 = tpu.memref_slice %arg6[%dma_start3A_611, %dma_start3A_620, %dma_start3A_621] : memref<8x80x128xf32, #tpu.memory_space<vmem>> -> memref<1x80x128xf32, #tpu.memory_space<vmem>>
    %dma_start3A_623 = tpu.memref_squeeze %dma_start3A_622 : memref<1x80x128xf32, #tpu.memory_space<vmem>> -> memref<80x128xf32, #tpu.memory_space<vmem>>
    tpu.enqueue_dma source(%dma_start3A_623 : memref<80x128xf32, #tpu.memory_space<vmem>>) target(%dma_start3A_619 : memref<80x128xf32, #tpu.memory_space<hbm>>) target_semaphore(%arg17 : memref<!tpu.dma_semaphore, #tpu.memory_space<semaphore_mem>>)
    %add3A_624 = arith.constant 119 : i32
    %add3A_625 = arith.addi %mul3A_2, %add3A_624 : i32
    %mul3A_626 = arith.constant 80 : i32
    %mul3A_627 = arith.muli %add3A_625, %mul3A_626 : i32
    %dma_wait3A_628 = arith.constant 7 : i32
    %dma_wait3A_629 = arith.constant 0 : i32
    %dma_wait3A_630 = arith.constant 0 : i32
    %dma_wait3A_631 = tpu.memref_slice %arg6[%dma_wait3A_628, %dma_wait3A_629, %dma_wait3A_630] : memref<8x80x128xf32, #tpu.memory_space<vmem>> -> memref<1x80x128xf32, #tpu.memory_space<vmem>>
    %dma_wait3A_632 = tpu.memref_squeeze %dma_wait3A_631 : memref<1x80x128xf32, #tpu.memory_space<vmem>> -> memref<80x128xf32, #tpu.memory_space<vmem>>
    %dma_wait3A_633 = arith.constant 0 : i32
    %dma_wait3A_634 = tpu.memref_slice %arg4[%mul3A_627, %dma_wait3A_633] : memref<327680x128xf32, #tpu.memory_space<hbm>> -> memref<80x128xf32, #tpu.memory_space<hbm>>
    %dma_wait3A_635 = arith.constant 0 : i32
    %dma_wait3A_636 = tpu.memref_slice %arg4[%mul3A_627, %dma_wait3A_635] : memref<327680x128xf32, #tpu.memory_space<hbm>> -> memref<80x128xf32, #tpu.memory_space<hbm>>
    %dma_wait3A_637 = arith.constant 0 : i32
    %dma_wait3A_638 = arith.constant 0 : i32
    %dma_wait3A_639 = tpu.memref_slice %arg6[%dma_wait3A_628, %dma_wait3A_637, %dma_wait3A_638] : memref<8x80x128xf32, #tpu.memory_space<vmem>> -> memref<1x80x128xf32, #tpu.memory_space<vmem>>
    %dma_wait3A_640 = tpu.memref_squeeze %dma_wait3A_639 : memref<1x80x128xf32, #tpu.memory_space<vmem>> -> memref<80x128xf32, #tpu.memory_space<vmem>>
    tpu.wait_dma2 semaphore(%arg22 : memref<!tpu.dma_semaphore, #tpu.memory_space<semaphore_mem>>) src(%dma_wait3A_640 : memref<80x128xf32, #tpu.memory_space<vmem>>) dst(%dma_wait3A_636 : memref<80x128xf32, #tpu.memory_space<hbm>>)
    %dma_start3A_641 = arith.constant 127 : i32
    %dma_start3A_642 = arith.constant 7 : i32
    %dma_start3A_643 = arith.constant 0 : i32
    %dma_start3A_644 = arith.constant 0 : i32
    %dma_start3A_645 = tpu.memref_slice %arg6[%dma_start3A_642, %dma_start3A_643, %dma_start3A_644] : memref<8x80x128xf32, #tpu.memory_space<vmem>> -> memref<1x77x128xf32, #tpu.memory_space<vmem>>
    %dma_start3A_646 = tpu.memref_squeeze %dma_start3A_645 : memref<1x77x128xf32, #tpu.memory_space<vmem>> -> memref<77x128xf32, #tpu.memory_space<vmem>>
    %dma_start3A_647 = arith.constant 0 : i32
    %dma_start3A_648 = tpu.memref_slice %arg5[%dma_start3A_641, %dma_start3A_647] : memref<128x77xi32, #tpu.memory_space<vmem>> -> memref<1x77xi32, #tpu.memory_space<vmem>>
    %dma_start3A_649 = tpu.memref_squeeze %dma_start3A_648 : memref<1x77xi32, #tpu.memory_space<vmem>> -> memref<77xi32, #tpu.memory_space<vmem>>
    %dma_start3A_650 = arith.constant 0 : i32
    %dma_start3A_651 = arith.constant 0 : i32
    %dma_start3A_652 = tpu.memref_slice %arg3[%dma_start3A_650, %dma_start3A_651] : memref<100000x128xf32, #tpu.memory_space<hbm>> -> memref<100000x128xf32, #tpu.memory_space<hbm>>
    tpu.enqueue_indirect_dma source(%dma_start3A_652 : memref<100000x128xf32, #tpu.memory_space<hbm>>) target(%dma_start3A_646 : memref<77x128xf32, #tpu.memory_space<vmem>>) offsets(%dma_start3A_649 : memref<77xi32, #tpu.memory_space<vmem>>) semaphore(%arg14 : memref<!tpu.dma_semaphore, #tpu.memory_space<semaphore_mem>>)
    %dma_wait3A_653 = arith.constant 123 : i32
    %dma_wait3A_654 = arith.constant 3 : i32
    %dma_wait3A_655 = arith.constant 0 : i32
    %dma_wait3A_656 = arith.constant 0 : i32
    %dma_wait3A_657 = tpu.memref_slice %arg6[%dma_wait3A_654, %dma_wait3A_655, %dma_wait3A_656] : memref<8x80x128xf32, #tpu.memory_space<vmem>> -> memref<1x77x128xf32, #tpu.memory_space<vmem>>
    %dma_wait3A_658 = tpu.memref_squeeze %dma_wait3A_657 : memref<1x77x128xf32, #tpu.memory_space<vmem>> -> memref<77x128xf32, #tpu.memory_space<vmem>>
    %dma_wait3A_659 = arith.constant 0 : i32
    %dma_wait3A_660 = tpu.memref_slice %arg5[%dma_wait3A_653, %dma_wait3A_659] : memref<128x77xi32, #tpu.memory_space<vmem>> -> memref<1x77xi32, #tpu.memory_space<vmem>>
    %dma_wait3A_661 = tpu.memref_squeeze %dma_wait3A_660 : memref<1x77xi32, #tpu.memory_space<vmem>> -> memref<77xi32, #tpu.memory_space<vmem>>
    %dma_wait3A_662 = arith.constant 0 : i32
    %dma_wait3A_663 = arith.constant 0 : i32
    %dma_wait3A_664 = tpu.memref_slice %arg3[%dma_wait3A_662, %dma_wait3A_663] : memref<100000x128xf32, #tpu.memory_space<hbm>> -> memref<100000x128xf32, #tpu.memory_space<hbm>>
    tpu.wait_indirect_dma semaphore(%arg10 : memref<!tpu.dma_semaphore, #tpu.memory_space<semaphore_mem>>) src(%dma_wait3A_664 : memref<100000x128xf32, #tpu.memory_space<hbm>>) dst(%dma_wait3A_658 : memref<77x128xf32, #tpu.memory_space<vmem>>)
    %add3A_665 = arith.constant 123 : i32
    %add3A_666 = arith.addi %mul3A_2, %add3A_665 : i32
    %mul3A_667 = arith.constant 80 : i32
    %mul3A_668 = arith.muli %add3A_666, %mul3A_667 : i32
    %dma_start3A_669 = arith.constant 3 : i32
    %dma_start3A_670 = arith.constant 0 : i32
    %dma_start3A_671 = arith.constant 0 : i32
    %dma_start3A_672 = tpu.memref_slice %arg6[%dma_start3A_669, %dma_start3A_670, %dma_start3A_671] : memref<8x80x128xf32, #tpu.memory_space<vmem>> -> memref<1x80x128xf32, #tpu.memory_space<vmem>>
    %dma_start3A_673 = tpu.memref_squeeze %dma_start3A_672 : memref<1x80x128xf32, #tpu.memory_space<vmem>> -> memref<80x128xf32, #tpu.memory_space<vmem>>
    %dma_start3A_674 = arith.constant 0 : i32
    %dma_start3A_675 = tpu.memref_slice %arg4[%mul3A_668, %dma_start3A_674] : memref<327680x128xf32, #tpu.memory_space<hbm>> -> memref<80x128xf32, #tpu.memory_space<hbm>>
    %dma_start3A_676 = arith.constant 0 : i32
    %dma_start3A_677 = tpu.memref_slice %arg4[%mul3A_668, %dma_start3A_676] : memref<327680x128xf32, #tpu.memory_space<hbm>> -> memref<80x128xf32, #tpu.memory_space<hbm>>
    %dma_start3A_678 = arith.constant 0 : i32
    %dma_start3A_679 = arith.constant 0 : i32
    %dma_start3A_680 = tpu.memref_slice %arg6[%dma_start3A_669, %dma_start3A_678, %dma_start3A_679] : memref<8x80x128xf32, #tpu.memory_space<vmem>> -> memref<1x80x128xf32, #tpu.memory_space<vmem>>
    %dma_start3A_681 = tpu.memref_squeeze %dma_start3A_680 : memref<1x80x128xf32, #tpu.memory_space<vmem>> -> memref<80x128xf32, #tpu.memory_space<vmem>>
    tpu.enqueue_dma source(%dma_start3A_681 : memref<80x128xf32, #tpu.memory_space<vmem>>) target(%dma_start3A_677 : memref<80x128xf32, #tpu.memory_space<hbm>>) target_semaphore(%arg18 : memref<!tpu.dma_semaphore, #tpu.memory_space<semaphore_mem>>)
    %dma_wait3A_682 = arith.constant 124 : i32
    %dma_wait3A_683 = arith.constant 4 : i32
    %dma_wait3A_684 = arith.constant 0 : i32
    %dma_wait3A_685 = arith.constant 0 : i32
    %dma_wait3A_686 = tpu.memref_slice %arg6[%dma_wait3A_683, %dma_wait3A_684, %dma_wait3A_685] : memref<8x80x128xf32, #tpu.memory_space<vmem>> -> memref<1x77x128xf32, #tpu.memory_space<vmem>>
    %dma_wait3A_687 = tpu.memref_squeeze %dma_wait3A_686 : memref<1x77x128xf32, #tpu.memory_space<vmem>> -> memref<77x128xf32, #tpu.memory_space<vmem>>
    %dma_wait3A_688 = arith.constant 0 : i32
    %dma_wait3A_689 = tpu.memref_slice %arg5[%dma_wait3A_682, %dma_wait3A_688] : memref<128x77xi32, #tpu.memory_space<vmem>> -> memref<1x77xi32, #tpu.memory_space<vmem>>
    %dma_wait3A_690 = tpu.memref_squeeze %dma_wait3A_689 : memref<1x77xi32, #tpu.memory_space<vmem>> -> memref<77xi32, #tpu.memory_space<vmem>>
    %dma_wait3A_691 = arith.constant 0 : i32
    %dma_wait3A_692 = arith.constant 0 : i32
    %dma_wait3A_693 = tpu.memref_slice %arg3[%dma_wait3A_691, %dma_wait3A_692] : memref<100000x128xf32, #tpu.memory_space<hbm>> -> memref<100000x128xf32, #tpu.memory_space<hbm>>
    tpu.wait_indirect_dma semaphore(%arg11 : memref<!tpu.dma_semaphore, #tpu.memory_space<semaphore_mem>>) src(%dma_wait3A_693 : memref<100000x128xf32, #tpu.memory_space<hbm>>) dst(%dma_wait3A_687 : memref<77x128xf32, #tpu.memory_space<vmem>>)
    %add3A_694 = arith.constant 124 : i32
    %add3A_695 = arith.addi %mul3A_2, %add3A_694 : i32
    %mul3A_696 = arith.constant 80 : i32
    %mul3A_697 = arith.muli %add3A_695, %mul3A_696 : i32
    %dma_start3A_698 = arith.constant 4 : i32
    %dma_start3A_699 = arith.constant 0 : i32
    %dma_start3A_700 = arith.constant 0 : i32
    %dma_start3A_701 = tpu.memref_slice %arg6[%dma_start3A_698, %dma_start3A_699, %dma_start3A_700] : memref<8x80x128xf32, #tpu.memory_space<vmem>> -> memref<1x80x128xf32, #tpu.memory_space<vmem>>
    %dma_start3A_702 = tpu.memref_squeeze %dma_start3A_701 : memref<1x80x128xf32, #tpu.memory_space<vmem>> -> memref<80x128xf32, #tpu.memory_space<vmem>>
    %dma_start3A_703 = arith.constant 0 : i32
    %dma_start3A_704 = tpu.memref_slice %arg4[%mul3A_697, %dma_start3A_703] : memref<327680x128xf32, #tpu.memory_space<hbm>> -> memref<80x128xf32, #tpu.memory_space<hbm>>
    %dma_start3A_705 = arith.constant 0 : i32
    %dma_start3A_706 = tpu.memref_slice %arg4[%mul3A_697, %dma_start3A_705] : memref<327680x128xf32, #tpu.memory_space<hbm>> -> memref<80x128xf32, #tpu.memory_space<hbm>>
    %dma_start3A_707 = arith.constant 0 : i32
    %dma_start3A_708 = arith.constant 0 : i32
    %dma_start3A_709 = tpu.memref_slice %arg6[%dma_start3A_698, %dma_start3A_707, %dma_start3A_708] : memref<8x80x128xf32, #tpu.memory_space<vmem>> -> memref<1x80x128xf32, #tpu.memory_space<vmem>>
    %dma_start3A_710 = tpu.memref_squeeze %dma_start3A_709 : memref<1x80x128xf32, #tpu.memory_space<vmem>> -> memref<80x128xf32, #tpu.memory_space<vmem>>
    tpu.enqueue_dma source(%dma_start3A_710 : memref<80x128xf32, #tpu.memory_space<vmem>>) target(%dma_start3A_706 : memref<80x128xf32, #tpu.memory_space<hbm>>) target_semaphore(%arg19 : memref<!tpu.dma_semaphore, #tpu.memory_space<semaphore_mem>>)
    %dma_wait3A_711 = arith.constant 125 : i32
    %dma_wait3A_712 = arith.constant 5 : i32
    %dma_wait3A_713 = arith.constant 0 : i32
    %dma_wait3A_714 = arith.constant 0 : i32
    %dma_wait3A_715 = tpu.memref_slice %arg6[%dma_wait3A_712, %dma_wait3A_713, %dma_wait3A_714] : memref<8x80x128xf32, #tpu.memory_space<vmem>> -> memref<1x77x128xf32, #tpu.memory_space<vmem>>
    %dma_wait3A_716 = tpu.memref_squeeze %dma_wait3A_715 : memref<1x77x128xf32, #tpu.memory_space<vmem>> -> memref<77x128xf32, #tpu.memory_space<vmem>>
    %dma_wait3A_717 = arith.constant 0 : i32
    %dma_wait3A_718 = tpu.memref_slice %arg5[%dma_wait3A_711, %dma_wait3A_717] : memref<128x77xi32, #tpu.memory_space<vmem>> -> memref<1x77xi32, #tpu.memory_space<vmem>>
    %dma_wait3A_719 = tpu.memref_squeeze %dma_wait3A_718 : memref<1x77xi32, #tpu.memory_space<vmem>> -> memref<77xi32, #tpu.memory_space<vmem>>
    %dma_wait3A_720 = arith.constant 0 : i32
    %dma_wait3A_721 = arith.constant 0 : i32
    %dma_wait3A_722 = tpu.memref_slice %arg3[%dma_wait3A_720, %dma_wait3A_721] : memref<100000x128xf32, #tpu.memory_space<hbm>> -> memref<100000x128xf32, #tpu.memory_space<hbm>>
    tpu.wait_indirect_dma semaphore(%arg12 : memref<!tpu.dma_semaphore, #tpu.memory_space<semaphore_mem>>) src(%dma_wait3A_722 : memref<100000x128xf32, #tpu.memory_space<hbm>>) dst(%dma_wait3A_716 : memref<77x128xf32, #tpu.memory_space<vmem>>)
    %add3A_723 = arith.constant 125 : i32
    %add3A_724 = arith.addi %mul3A_2, %add3A_723 : i32
    %mul3A_725 = arith.constant 80 : i32
    %mul3A_726 = arith.muli %add3A_724, %mul3A_725 : i32
    %dma_start3A_727 = arith.constant 5 : i32
    %dma_start3A_728 = arith.constant 0 : i32
    %dma_start3A_729 = arith.constant 0 : i32
    %dma_start3A_730 = tpu.memref_slice %arg6[%dma_start3A_727, %dma_start3A_728, %dma_start3A_729] : memref<8x80x128xf32, #tpu.memory_space<vmem>> -> memref<1x80x128xf32, #tpu.memory_space<vmem>>
    %dma_start3A_731 = tpu.memref_squeeze %dma_start3A_730 : memref<1x80x128xf32, #tpu.memory_space<vmem>> -> memref<80x128xf32, #tpu.memory_space<vmem>>
    %dma_start3A_732 = arith.constant 0 : i32
    %dma_start3A_733 = tpu.memref_slice %arg4[%mul3A_726, %dma_start3A_732] : memref<327680x128xf32, #tpu.memory_space<hbm>> -> memref<80x128xf32, #tpu.memory_space<hbm>>
    %dma_start3A_734 = arith.constant 0 : i32
    %dma_start3A_735 = tpu.memref_slice %arg4[%mul3A_726, %dma_start3A_734] : memref<327680x128xf32, #tpu.memory_space<hbm>> -> memref<80x128xf32, #tpu.memory_space<hbm>>
    %dma_start3A_736 = arith.constant 0 : i32
    %dma_start3A_737 = arith.constant 0 : i32
    %dma_start3A_738 = tpu.memref_slice %arg6[%dma_start3A_727, %dma_start3A_736, %dma_start3A_737] : memref<8x80x128xf32, #tpu.memory_space<vmem>> -> memref<1x80x128xf32, #tpu.memory_space<vmem>>
    %dma_start3A_739 = tpu.memref_squeeze %dma_start3A_738 : memref<1x80x128xf32, #tpu.memory_space<vmem>> -> memref<80x128xf32, #tpu.memory_space<vmem>>
    tpu.enqueue_dma source(%dma_start3A_739 : memref<80x128xf32, #tpu.memory_space<vmem>>) target(%dma_start3A_735 : memref<80x128xf32, #tpu.memory_space<hbm>>) target_semaphore(%arg20 : memref<!tpu.dma_semaphore, #tpu.memory_space<semaphore_mem>>)
    %dma_wait3A_740 = arith.constant 126 : i32
    %dma_wait3A_741 = arith.constant 6 : i32
    %dma_wait3A_742 = arith.constant 0 : i32
    %dma_wait3A_743 = arith.constant 0 : i32
    %dma_wait3A_744 = tpu.memref_slice %arg6[%dma_wait3A_741, %dma_wait3A_742, %dma_wait3A_743] : memref<8x80x128xf32, #tpu.memory_space<vmem>> -> memref<1x77x128xf32, #tpu.memory_space<vmem>>
    %dma_wait3A_745 = tpu.memref_squeeze %dma_wait3A_744 : memref<1x77x128xf32, #tpu.memory_space<vmem>> -> memref<77x128xf32, #tpu.memory_space<vmem>>
    %dma_wait3A_746 = arith.constant 0 : i32
    %dma_wait3A_747 = tpu.memref_slice %arg5[%dma_wait3A_740, %dma_wait3A_746] : memref<128x77xi32, #tpu.memory_space<vmem>> -> memref<1x77xi32, #tpu.memory_space<vmem>>
    %dma_wait3A_748 = tpu.memref_squeeze %dma_wait3A_747 : memref<1x77xi32, #tpu.memory_space<vmem>> -> memref<77xi32, #tpu.memory_space<vmem>>
    %dma_wait3A_749 = arith.constant 0 : i32
    %dma_wait3A_750 = arith.constant 0 : i32
    %dma_wait3A_751 = tpu.memref_slice %arg3[%dma_wait3A_749, %dma_wait3A_750] : memref<100000x128xf32, #tpu.memory_space<hbm>> -> memref<100000x128xf32, #tpu.memory_space<hbm>>
    tpu.wait_indirect_dma semaphore(%arg13 : memref<!tpu.dma_semaphore, #tpu.memory_space<semaphore_mem>>) src(%dma_wait3A_751 : memref<100000x128xf32, #tpu.memory_space<hbm>>) dst(%dma_wait3A_745 : memref<77x128xf32, #tpu.memory_space<vmem>>)
    %add3A_752 = arith.constant 126 : i32
    %add3A_753 = arith.addi %mul3A_2, %add3A_752 : i32
    %mul3A_754 = arith.constant 80 : i32
    %mul3A_755 = arith.muli %add3A_753, %mul3A_754 : i32
    %dma_start3A_756 = arith.constant 6 : i32
    %dma_start3A_757 = arith.constant 0 : i32
    %dma_start3A_758 = arith.constant 0 : i32
    %dma_start3A_759 = tpu.memref_slice %arg6[%dma_start3A_756, %dma_start3A_757, %dma_start3A_758] : memref<8x80x128xf32, #tpu.memory_space<vmem>> -> memref<1x80x128xf32, #tpu.memory_space<vmem>>
    %dma_start3A_760 = tpu.memref_squeeze %dma_start3A_759 : memref<1x80x128xf32, #tpu.memory_space<vmem>> -> memref<80x128xf32, #tpu.memory_space<vmem>>
    %dma_start3A_761 = arith.constant 0 : i32
    %dma_start3A_762 = tpu.memref_slice %arg4[%mul3A_755, %dma_start3A_761] : memref<327680x128xf32, #tpu.memory_space<hbm>> -> memref<80x128xf32, #tpu.memory_space<hbm>>
    %dma_start3A_763 = arith.constant 0 : i32
    %dma_start3A_764 = tpu.memref_slice %arg4[%mul3A_755, %dma_start3A_763] : memref<327680x128xf32, #tpu.memory_space<hbm>> -> memref<80x128xf32, #tpu.memory_space<hbm>>
    %dma_start3A_765 = arith.constant 0 : i32
    %dma_start3A_766 = arith.constant 0 : i32
    %dma_start3A_767 = tpu.memref_slice %arg6[%dma_start3A_756, %dma_start3A_765, %dma_start3A_766] : memref<8x80x128xf32, #tpu.memory_space<vmem>> -> memref<1x80x128xf32, #tpu.memory_space<vmem>>
    %dma_start3A_768 = tpu.memref_squeeze %dma_start3A_767 : memref<1x80x128xf32, #tpu.memory_space<vmem>> -> memref<80x128xf32, #tpu.memory_space<vmem>>
    tpu.enqueue_dma source(%dma_start3A_768 : memref<80x128xf32, #tpu.memory_space<vmem>>) target(%dma_start3A_764 : memref<80x128xf32, #tpu.memory_space<hbm>>) target_semaphore(%arg21 : memref<!tpu.dma_semaphore, #tpu.memory_space<semaphore_mem>>)
    %dma_wait3A_769 = arith.constant 127 : i32
    %dma_wait3A_770 = arith.constant 7 : i32
    %dma_wait3A_771 = arith.constant 0 : i32
    %dma_wait3A_772 = arith.constant 0 : i32
    %dma_wait3A_773 = tpu.memref_slice %arg6[%dma_wait3A_770, %dma_wait3A_771, %dma_wait3A_772] : memref<8x80x128xf32, #tpu.memory_space<vmem>> -> memref<1x77x128xf32, #tpu.memory_space<vmem>>
    %dma_wait3A_774 = tpu.memref_squeeze %dma_wait3A_773 : memref<1x77x128xf32, #tpu.memory_space<vmem>> -> memref<77x128xf32, #tpu.memory_space<vmem>>
    %dma_wait3A_775 = arith.constant 0 : i32
    %dma_wait3A_776 = tpu.memref_slice %arg5[%dma_wait3A_769, %dma_wait3A_775] : memref<128x77xi32, #tpu.memory_space<vmem>> -> memref<1x77xi32, #tpu.memory_space<vmem>>
    %dma_wait3A_777 = tpu.memref_squeeze %dma_wait3A_776 : memref<1x77xi32, #tpu.memory_space<vmem>> -> memref<77xi32, #tpu.memory_space<vmem>>
    %dma_wait3A_778 = arith.constant 0 : i32
    %dma_wait3A_779 = arith.constant 0 : i32
    %dma_wait3A_780 = tpu.memref_slice %arg3[%dma_wait3A_778, %dma_wait3A_779] : memref<100000x128xf32, #tpu.memory_space<hbm>> -> memref<100000x128xf32, #tpu.memory_space<hbm>>
    tpu.wait_indirect_dma semaphore(%arg14 : memref<!tpu.dma_semaphore, #tpu.memory_space<semaphore_mem>>) src(%dma_wait3A_780 : memref<100000x128xf32, #tpu.memory_space<hbm>>) dst(%dma_wait3A_774 : memref<77x128xf32, #tpu.memory_space<vmem>>)
    %add3A_781 = arith.constant 127 : i32
    %add3A_782 = arith.addi %mul3A_2, %add3A_781 : i32
    %mul3A_783 = arith.constant 80 : i32
    %mul3A_784 = arith.muli %add3A_782, %mul3A_783 : i32
    %dma_start3A_785 = arith.constant 7 : i32
    %dma_start3A_786 = arith.constant 0 : i32
    %dma_start3A_787 = arith.constant 0 : i32
    %dma_start3A_788 = tpu.memref_slice %arg6[%dma_start3A_785, %dma_start3A_786, %dma_start3A_787] : memref<8x80x128xf32, #tpu.memory_space<vmem>> -> memref<1x80x128xf32, #tpu.memory_space<vmem>>
    %dma_start3A_789 = tpu.memref_squeeze %dma_start3A_788 : memref<1x80x128xf32, #tpu.memory_space<vmem>> -> memref<80x128xf32, #tpu.memory_space<vmem>>
    %dma_start3A_790 = arith.constant 0 : i32
    %dma_start3A_791 = tpu.memref_slice %arg4[%mul3A_784, %dma_start3A_790] : memref<327680x128xf32, #tpu.memory_space<hbm>> -> memref<80x128xf32, #tpu.memory_space<hbm>>
    %dma_start3A_792 = arith.constant 0 : i32
    %dma_start3A_793 = tpu.memref_slice %arg4[%mul3A_784, %dma_start3A_792] : memref<327680x128xf32, #tpu.memory_space<hbm>> -> memref<80x128xf32, #tpu.memory_space<hbm>>
    %dma_start3A_794 = arith.constant 0 : i32
    %dma_start3A_795 = arith.constant 0 : i32
    %dma_start3A_796 = tpu.memref_slice %arg6[%dma_start3A_785, %dma_start3A_794, %dma_start3A_795] : memref<8x80x128xf32, #tpu.memory_space<vmem>> -> memref<1x80x128xf32, #tpu.memory_space<vmem>>
    %dma_start3A_797 = tpu.memref_squeeze %dma_start3A_796 : memref<1x80x128xf32, #tpu.memory_space<vmem>> -> memref<80x128xf32, #tpu.memory_space<vmem>>
    tpu.enqueue_dma source(%dma_start3A_797 : memref<80x128xf32, #tpu.memory_space<vmem>>) target(%dma_start3A_793 : memref<80x128xf32, #tpu.memory_space<hbm>>) target_semaphore(%arg22 : memref<!tpu.dma_semaphore, #tpu.memory_space<semaphore_mem>>)
    %add3A_798 = arith.constant 120 : i32
    %add3A_799 = arith.addi %mul3A_2, %add3A_798 : i32
    %mul3A_800 = arith.constant 80 : i32
    %mul3A_801 = arith.muli %add3A_799, %mul3A_800 : i32
    %dma_wait3A_802 = arith.constant 0 : i32
    %dma_wait3A_803 = arith.constant 0 : i32
    %dma_wait3A_804 = arith.constant 0 : i32
    %dma_wait3A_805 = tpu.memref_slice %arg6[%dma_wait3A_802, %dma_wait3A_803, %dma_wait3A_804] : memref<8x80x128xf32, #tpu.memory_space<vmem>> -> memref<1x80x128xf32, #tpu.memory_space<vmem>>
    %dma_wait3A_806 = tpu.memref_squeeze %dma_wait3A_805 : memref<1x80x128xf32, #tpu.memory_space<vmem>> -> memref<80x128xf32, #tpu.memory_space<vmem>>
    %dma_wait3A_807 = arith.constant 0 : i32
    %dma_wait3A_808 = tpu.memref_slice %arg4[%mul3A_801, %dma_wait3A_807] : memref<327680x128xf32, #tpu.memory_space<hbm>> -> memref<80x128xf32, #tpu.memory_space<hbm>>
    %dma_wait3A_809 = arith.constant 0 : i32
    %dma_wait3A_810 = tpu.memref_slice %arg4[%mul3A_801, %dma_wait3A_809] : memref<327680x128xf32, #tpu.memory_space<hbm>> -> memref<80x128xf32, #tpu.memory_space<hbm>>
    %dma_wait3A_811 = arith.constant 0 : i32
    %dma_wait3A_812 = arith.constant 0 : i32
    %dma_wait3A_813 = tpu.memref_slice %arg6[%dma_wait3A_802, %dma_wait3A_811, %dma_wait3A_812] : memref<8x80x128xf32, #tpu.memory_space<vmem>> -> memref<1x80x128xf32, #tpu.memory_space<vmem>>
    %dma_wait3A_814 = tpu.memref_squeeze %dma_wait3A_813 : memref<1x80x128xf32, #tpu.memory_space<vmem>> -> memref<80x128xf32, #tpu.memory_space<vmem>>
    tpu.wait_dma2 semaphore(%arg15 : memref<!tpu.dma_semaphore, #tpu.memory_space<semaphore_mem>>) src(%dma_wait3A_814 : memref<80x128xf32, #tpu.memory_space<vmem>>) dst(%dma_wait3A_810 : memref<80x128xf32, #tpu.memory_space<hbm>>)
    %add3A_815 = arith.constant 121 : i32
    %add3A_816 = arith.addi %mul3A_2, %add3A_815 : i32
    %mul3A_817 = arith.constant 80 : i32
    %mul3A_818 = arith.muli %add3A_816, %mul3A_817 : i32
    %dma_wait3A_819 = arith.constant 1 : i32
    %dma_wait3A_820 = arith.constant 0 : i32
    %dma_wait3A_821 = arith.constant 0 : i32
    %dma_wait3A_822 = tpu.memref_slice %arg6[%dma_wait3A_819, %dma_wait3A_820, %dma_wait3A_821] : memref<8x80x128xf32, #tpu.memory_space<vmem>> -> memref<1x80x128xf32, #tpu.memory_space<vmem>>
    %dma_wait3A_823 = tpu.memref_squeeze %dma_wait3A_822 : memref<1x80x128xf32, #tpu.memory_space<vmem>> -> memref<80x128xf32, #tpu.memory_space<vmem>>
    %dma_wait3A_824 = arith.constant 0 : i32
    %dma_wait3A_825 = tpu.memref_slice %arg4[%mul3A_818, %dma_wait3A_824] : memref<327680x128xf32, #tpu.memory_space<hbm>> -> memref<80x128xf32, #tpu.memory_space<hbm>>
    %dma_wait3A_826 = arith.constant 0 : i32
    %dma_wait3A_827 = tpu.memref_slice %arg4[%mul3A_818, %dma_wait3A_826] : memref<327680x128xf32, #tpu.memory_space<hbm>> -> memref<80x128xf32, #tpu.memory_space<hbm>>
    %dma_wait3A_828 = arith.constant 0 : i32
    %dma_wait3A_829 = arith.constant 0 : i32
    %dma_wait3A_830 = tpu.memref_slice %arg6[%dma_wait3A_819, %dma_wait3A_828, %dma_wait3A_829] : memref<8x80x128xf32, #tpu.memory_space<vmem>> -> memref<1x80x128xf32, #tpu.memory_space<vmem>>
    %dma_wait3A_831 = tpu.memref_squeeze %dma_wait3A_830 : memref<1x80x128xf32, #tpu.memory_space<vmem>> -> memref<80x128xf32, #tpu.memory_space<vmem>>
    tpu.wait_dma2 semaphore(%arg16 : memref<!tpu.dma_semaphore, #tpu.memory_space<semaphore_mem>>) src(%dma_wait3A_831 : memref<80x128xf32, #tpu.memory_space<vmem>>) dst(%dma_wait3A_827 : memref<80x128xf32, #tpu.memory_space<hbm>>)
    %add3A_832 = arith.constant 122 : i32
    %add3A_833 = arith.addi %mul3A_2, %add3A_832 : i32
    %mul3A_834 = arith.constant 80 : i32
    %mul3A_835 = arith.muli %add3A_833, %mul3A_834 : i32
    %dma_wait3A_836 = arith.constant 2 : i32
    %dma_wait3A_837 = arith.constant 0 : i32
    %dma_wait3A_838 = arith.constant 0 : i32
    %dma_wait3A_839 = tpu.memref_slice %arg6[%dma_wait3A_836, %dma_wait3A_837, %dma_wait3A_838] : memref<8x80x128xf32, #tpu.memory_space<vmem>> -> memref<1x80x128xf32, #tpu.memory_space<vmem>>
    %dma_wait3A_840 = tpu.memref_squeeze %dma_wait3A_839 : memref<1x80x128xf32, #tpu.memory_space<vmem>> -> memref<80x128xf32, #tpu.memory_space<vmem>>
    %dma_wait3A_841 = arith.constant 0 : i32
    %dma_wait3A_842 = tpu.memref_slice %arg4[%mul3A_835, %dma_wait3A_841] : memref<327680x128xf32, #tpu.memory_space<hbm>> -> memref<80x128xf32, #tpu.memory_space<hbm>>
    %dma_wait3A_843 = arith.constant 0 : i32
    %dma_wait3A_844 = tpu.memref_slice %arg4[%mul3A_835, %dma_wait3A_843] : memref<327680x128xf32, #tpu.memory_space<hbm>> -> memref<80x128xf32, #tpu.memory_space<hbm>>
    %dma_wait3A_845 = arith.constant 0 : i32
    %dma_wait3A_846 = arith.constant 0 : i32
    %dma_wait3A_847 = tpu.memref_slice %arg6[%dma_wait3A_836, %dma_wait3A_845, %dma_wait3A_846] : memref<8x80x128xf32, #tpu.memory_space<vmem>> -> memref<1x80x128xf32, #tpu.memory_space<vmem>>
    %dma_wait3A_848 = tpu.memref_squeeze %dma_wait3A_847 : memref<1x80x128xf32, #tpu.memory_space<vmem>> -> memref<80x128xf32, #tpu.memory_space<vmem>>
    tpu.wait_dma2 semaphore(%arg17 : memref<!tpu.dma_semaphore, #tpu.memory_space<semaphore_mem>>) src(%dma_wait3A_848 : memref<80x128xf32, #tpu.memory_space<vmem>>) dst(%dma_wait3A_844 : memref<80x128xf32, #tpu.memory_space<hbm>>)
    %add3A_849 = arith.constant 123 : i32
    %add3A_850 = arith.addi %mul3A_2, %add3A_849 : i32
    %mul3A_851 = arith.constant 80 : i32
    %mul3A_852 = arith.muli %add3A_850, %mul3A_851 : i32
    %dma_wait3A_853 = arith.constant 3 : i32
    %dma_wait3A_854 = arith.constant 0 : i32
    %dma_wait3A_855 = arith.constant 0 : i32
    %dma_wait3A_856 = tpu.memref_slice %arg6[%dma_wait3A_853, %dma_wait3A_854, %dma_wait3A_855] : memref<8x80x128xf32, #tpu.memory_space<vmem>> -> memref<1x80x128xf32, #tpu.memory_space<vmem>>
    %dma_wait3A_857 = tpu.memref_squeeze %dma_wait3A_856 : memref<1x80x128xf32, #tpu.memory_space<vmem>> -> memref<80x128xf32, #tpu.memory_space<vmem>>
    %dma_wait3A_858 = arith.constant 0 : i32
    %dma_wait3A_859 = tpu.memref_slice %arg4[%mul3A_852, %dma_wait3A_858] : memref<327680x128xf32, #tpu.memory_space<hbm>> -> memref<80x128xf32, #tpu.memory_space<hbm>>
    %dma_wait3A_860 = arith.constant 0 : i32
    %dma_wait3A_861 = tpu.memref_slice %arg4[%mul3A_852, %dma_wait3A_860] : memref<327680x128xf32, #tpu.memory_space<hbm>> -> memref<80x128xf32, #tpu.memory_space<hbm>>
    %dma_wait3A_862 = arith.constant 0 : i32
    %dma_wait3A_863 = arith.constant 0 : i32
    %dma_wait3A_864 = tpu.memref_slice %arg6[%dma_wait3A_853, %dma_wait3A_862, %dma_wait3A_863] : memref<8x80x128xf32, #tpu.memory_space<vmem>> -> memref<1x80x128xf32, #tpu.memory_space<vmem>>
    %dma_wait3A_865 = tpu.memref_squeeze %dma_wait3A_864 : memref<1x80x128xf32, #tpu.memory_space<vmem>> -> memref<80x128xf32, #tpu.memory_space<vmem>>
    tpu.wait_dma2 semaphore(%arg18 : memref<!tpu.dma_semaphore, #tpu.memory_space<semaphore_mem>>) src(%dma_wait3A_865 : memref<80x128xf32, #tpu.memory_space<vmem>>) dst(%dma_wait3A_861 : memref<80x128xf32, #tpu.memory_space<hbm>>)
    %add3A_866 = arith.constant 124 : i32
    %add3A_867 = arith.addi %mul3A_2, %add3A_866 : i32
    %mul3A_868 = arith.constant 80 : i32
    %mul3A_869 = arith.muli %add3A_867, %mul3A_868 : i32
    %dma_wait3A_870 = arith.constant 4 : i32
    %dma_wait3A_871 = arith.constant 0 : i32
    %dma_wait3A_872 = arith.constant 0 : i32
    %dma_wait3A_873 = tpu.memref_slice %arg6[%dma_wait3A_870, %dma_wait3A_871, %dma_wait3A_872] : memref<8x80x128xf32, #tpu.memory_space<vmem>> -> memref<1x80x128xf32, #tpu.memory_space<vmem>>
    %dma_wait3A_874 = tpu.memref_squeeze %dma_wait3A_873 : memref<1x80x128xf32, #tpu.memory_space<vmem>> -> memref<80x128xf32, #tpu.memory_space<vmem>>
    %dma_wait3A_875 = arith.constant 0 : i32
    %dma_wait3A_876 = tpu.memref_slice %arg4[%mul3A_869, %dma_wait3A_875] : memref<327680x128xf32, #tpu.memory_space<hbm>> -> memref<80x128xf32, #tpu.memory_space<hbm>>
    %dma_wait3A_877 = arith.constant 0 : i32
    %dma_wait3A_878 = tpu.memref_slice %arg4[%mul3A_869, %dma_wait3A_877] : memref<327680x128xf32, #tpu.memory_space<hbm>> -> memref<80x128xf32, #tpu.memory_space<hbm>>
    %dma_wait3A_879 = arith.constant 0 : i32
    %dma_wait3A_880 = arith.constant 0 : i32
    %dma_wait3A_881 = tpu.memref_slice %arg6[%dma_wait3A_870, %dma_wait3A_879, %dma_wait3A_880] : memref<8x80x128xf32, #tpu.memory_space<vmem>> -> memref<1x80x128xf32, #tpu.memory_space<vmem>>
    %dma_wait3A_882 = tpu.memref_squeeze %dma_wait3A_881 : memref<1x80x128xf32, #tpu.memory_space<vmem>> -> memref<80x128xf32, #tpu.memory_space<vmem>>
    tpu.wait_dma2 semaphore(%arg19 : memref<!tpu.dma_semaphore, #tpu.memory_space<semaphore_mem>>) src(%dma_wait3A_882 : memref<80x128xf32, #tpu.memory_space<vmem>>) dst(%dma_wait3A_878 : memref<80x128xf32, #tpu.memory_space<hbm>>)
    %add3A_883 = arith.constant 125 : i32
    %add3A_884 = arith.addi %mul3A_2, %add3A_883 : i32
    %mul3A_885 = arith.constant 80 : i32
    %mul3A_886 = arith.muli %add3A_884, %mul3A_885 : i32
    %dma_wait3A_887 = arith.constant 5 : i32
    %dma_wait3A_888 = arith.constant 0 : i32
    %dma_wait3A_889 = arith.constant 0 : i32
    %dma_wait3A_890 = tpu.memref_slice %arg6[%dma_wait3A_887, %dma_wait3A_888, %dma_wait3A_889] : memref<8x80x128xf32, #tpu.memory_space<vmem>> -> memref<1x80x128xf32, #tpu.memory_space<vmem>>
    %dma_wait3A_891 = tpu.memref_squeeze %dma_wait3A_890 : memref<1x80x128xf32, #tpu.memory_space<vmem>> -> memref<80x128xf32, #tpu.memory_space<vmem>>
    %dma_wait3A_892 = arith.constant 0 : i32
    %dma_wait3A_893 = tpu.memref_slice %arg4[%mul3A_886, %dma_wait3A_892] : memref<327680x128xf32, #tpu.memory_space<hbm>> -> memref<80x128xf32, #tpu.memory_space<hbm>>
    %dma_wait3A_894 = arith.constant 0 : i32
    %dma_wait3A_895 = tpu.memref_slice %arg4[%mul3A_886, %dma_wait3A_894] : memref<327680x128xf32, #tpu.memory_space<hbm>> -> memref<80x128xf32, #tpu.memory_space<hbm>>
    %dma_wait3A_896 = arith.constant 0 : i32
    %dma_wait3A_897 = arith.constant 0 : i32
    %dma_wait3A_898 = tpu.memref_slice %arg6[%dma_wait3A_887, %dma_wait3A_896, %dma_wait3A_897] : memref<8x80x128xf32, #tpu.memory_space<vmem>> -> memref<1x80x128xf32, #tpu.memory_space<vmem>>
    %dma_wait3A_899 = tpu.memref_squeeze %dma_wait3A_898 : memref<1x80x128xf32, #tpu.memory_space<vmem>> -> memref<80x128xf32, #tpu.memory_space<vmem>>
    tpu.wait_dma2 semaphore(%arg20 : memref<!tpu.dma_semaphore, #tpu.memory_space<semaphore_mem>>) src(%dma_wait3A_899 : memref<80x128xf32, #tpu.memory_space<vmem>>) dst(%dma_wait3A_895 : memref<80x128xf32, #tpu.memory_space<hbm>>)
    %add3A_900 = arith.constant 126 : i32
    %add3A_901 = arith.addi %mul3A_2, %add3A_900 : i32
    %mul3A_902 = arith.constant 80 : i32
    %mul3A_903 = arith.muli %add3A_901, %mul3A_902 : i32
    %dma_wait3A_904 = arith.constant 6 : i32
    %dma_wait3A_905 = arith.constant 0 : i32
    %dma_wait3A_906 = arith.constant 0 : i32
    %dma_wait3A_907 = tpu.memref_slice %arg6[%dma_wait3A_904, %dma_wait3A_905, %dma_wait3A_906] : memref<8x80x128xf32, #tpu.memory_space<vmem>> -> memref<1x80x128xf32, #tpu.memory_space<vmem>>
    %dma_wait3A_908 = tpu.memref_squeeze %dma_wait3A_907 : memref<1x80x128xf32, #tpu.memory_space<vmem>> -> memref<80x128xf32, #tpu.memory_space<vmem>>
    %dma_wait3A_909 = arith.constant 0 : i32
    %dma_wait3A_910 = tpu.memref_slice %arg4[%mul3A_903, %dma_wait3A_909] : memref<327680x128xf32, #tpu.memory_space<hbm>> -> memref<80x128xf32, #tpu.memory_space<hbm>>
    %dma_wait3A_911 = arith.constant 0 : i32
    %dma_wait3A_912 = tpu.memref_slice %arg4[%mul3A_903, %dma_wait3A_911] : memref<327680x128xf32, #tpu.memory_space<hbm>> -> memref<80x128xf32, #tpu.memory_space<hbm>>
    %dma_wait3A_913 = arith.constant 0 : i32
    %dma_wait3A_914 = arith.constant 0 : i32
    %dma_wait3A_915 = tpu.memref_slice %arg6[%dma_wait3A_904, %dma_wait3A_913, %dma_wait3A_914] : memref<8x80x128xf32, #tpu.memory_space<vmem>> -> memref<1x80x128xf32, #tpu.memory_space<vmem>>
    %dma_wait3A_916 = tpu.memref_squeeze %dma_wait3A_915 : memref<1x80x128xf32, #tpu.memory_space<vmem>> -> memref<80x128xf32, #tpu.memory_space<vmem>>
    tpu.wait_dma2 semaphore(%arg21 : memref<!tpu.dma_semaphore, #tpu.memory_space<semaphore_mem>>) src(%dma_wait3A_916 : memref<80x128xf32, #tpu.memory_space<vmem>>) dst(%dma_wait3A_912 : memref<80x128xf32, #tpu.memory_space<hbm>>)
    %add3A_917 = arith.constant 127 : i32
    %add3A_918 = arith.addi %mul3A_2, %add3A_917 : i32
    %mul3A_919 = arith.constant 80 : i32
    %mul3A_920 = arith.muli %add3A_918, %mul3A_919 : i32
    %dma_wait3A_921 = arith.constant 7 : i32
    %dma_wait3A_922 = arith.constant 0 : i32
    %dma_wait3A_923 = arith.constant 0 : i32
    %dma_wait3A_924 = tpu.memref_slice %arg6[%dma_wait3A_921, %dma_wait3A_922, %dma_wait3A_923] : memref<8x80x128xf32, #tpu.memory_space<vmem>> -> memref<1x80x128xf32, #tpu.memory_space<vmem>>
    %dma_wait3A_925 = tpu.memref_squeeze %dma_wait3A_924 : memref<1x80x128xf32, #tpu.memory_space<vmem>> -> memref<80x128xf32, #tpu.memory_space<vmem>>
    %dma_wait3A_926 = arith.constant 0 : i32
    %dma_wait3A_927 = tpu.memref_slice %arg4[%mul3A_920, %dma_wait3A_926] : memref<327680x128xf32, #tpu.memory_space<hbm>> -> memref<80x128xf32, #tpu.memory_space<hbm>>
    %dma_wait3A_928 = arith.constant 0 : i32
    %dma_wait3A_929 = tpu.memref_slice %arg4[%mul3A_920, %dma_wait3A_928] : memref<327680x128xf32, #tpu.memory_space<hbm>> -> memref<80x128xf32, #tpu.memory_space<hbm>>
    %dma_wait3A_930 = arith.constant 0 : i32
    %dma_wait3A_931 = arith.constant 0 : i32
    %dma_wait3A_932 = tpu.memref_slice %arg6[%dma_wait3A_921, %dma_wait3A_930, %dma_wait3A_931] : memref<8x80x128xf32, #tpu.memory_space<vmem>> -> memref<1x80x128xf32, #tpu.memory_space<vmem>>
    %dma_wait3A_933 = tpu.memref_squeeze %dma_wait3A_932 : memref<1x80x128xf32, #tpu.memory_space<vmem>> -> memref<80x128xf32, #tpu.memory_space<vmem>>
    tpu.wait_dma2 semaphore(%arg22 : memref<!tpu.dma_semaphore, #tpu.memory_space<semaphore_mem>>) src(%dma_wait3A_933 : memref<80x128xf32, #tpu.memory_space<vmem>>) dst(%dma_wait3A_929 : memref<80x128xf32, #tpu.memory_space<hbm>>)
    return
  }
}

</mosaic_0001>

<sc_bundles>
// kernel: kernel.3.cloned.1.call-start
scs
__scs_entry_jumppad:
0x0: {  	(pc) =	sbr.rel $0x88, $3  }
0x1: {  	(tag) =	ssettag $0x0;
	lr =	simm.s32 $0x1  }
0x2: {  	[smem:$0x3F9E] =	sst lr;
	_ =	strace $0xD0000000  }
0x3: {  	_ = 	snop  }
0x4: {  	_ = 	snop  }
0x5: {  	_ = 	snop  }
0x6: {  	_ = 	snop  }
0x7: {  	_ = 	snop  }
__scs_overlays_trampoline_lowered:
0x8: {  	[smem:$0x3FAD] =	sst s0  }
0x9: {  	[smem:$0x3FAE] =	sst s1  }
0xa: {  	[smem:$0x3FAF] =	sst s2  }
0xb: {  	[smem:$0x3FB0] =	sst s3  }
0xc: {  	[smem:$0x3FB1] =	sst s4  }
0xd: {  	[smem:$0x3FB2] =	sst s5  }
0xe: {  	[smem:$0x3FB3] =	sst s6  }
0xf: {  	[smem:$0x3FB4] =	sst s7  }
0x10: {  	[smem:$0x3FB5] =	sst s8  }
0x11: {  	[smem:$0x3FB6] =	sst s9;
	s0 =	simm.s32 @!p0 $0x0  }
0x12: {  	s1 =	sld [smem:$0x3F9C];
	s0 =	simm.s32 @p0 $0x1  }
0x13: {  	[smem:$0x3FB7] =	sst s0;
	s0 =	simm.s32 @!p1 $0x0  }
0x14: {  	s2 =	sld [smem:$0x3F9B];
	s0 =	simm.s32 @p1 $0x1  }
0x15: {  	[smem:$0x3FB8] =	sst s0;
	s0 =	simm.s32 @!p2 $0x0  }
0x16: {  	s3 =	sld [smem:$0x3FDB];
	s0 =	simm.s32 @p2 $0x1  }
0x17: {  	s4 =	simm.s32 $0x1BF5;
	[smem:$0x3FBA] =	sst s0  }
0x18: {  	s0 =	sld [smem:$0x3F9D];
	_ =	swait.ge [sflag:s4], $0x0  }
0x19: {  	s7 =	sld [smem:$0x3F9E]  }
0x1a: {  	s8 =	sadd.s32 $0xFFFFE003, lr  }
0x1b: {  	s9 =	sadd.s32 $0xFFFFFEF7, lr;
	s5 =	simm.s32 $0xFFFFFFFF;
	p2 =	slt.u32 s8, $0xFFFFF086  }
0x1c: {  	p1 =	slt.u32 s9, $0xF7A;
	s5 =	simm.s32 @!p2 $0x0  }
0x1d: {  	s5 =	simm.s32 @p1 $0x1;
	p0 =	seq.s32 s7, s2  }
0x1e: {  	s7 =	smul.u32 @!p0 $0xF7A, s2;
	p2 =	seq.s32 @!p0 s5, $0x0  }
0x1f: {  	s9 =	smul.u32 $0xF7A, s1;
	s8 =	simm.s32 @!p0 $0x1BF5;
	p2 =	por !p2, p0  }
0x20: {  	[sflag:s8] =	ssyncset.s32 @!p0 $0xFFFFF086;
	s6 =	sadd.s32 @!p0 s3, s7;
	s7 =	simm.s32 @!p0 $0x108  }
0x21: {  	s3 =	sadd.s32 s3, s9;
	s6 =	sadd.s32 @!p0 $0x88, s6;
	s7 =	simm.s32 @p2 $0x1082  }
0x22: {  	[simem:s7], [sflag:s8] =	dma.local @!p0 [hbm:s6], $0xF7A  }
0x23: {  	s9 =	sor.u32 $0xD0000000, s2;
	s6 =	simm.s32 $0x108;
	_ =	swait.ge @!p0 [sflag:s8], $0x0  }
0x24: {  	s3 =	sadd.s32 $0x88, s3;
	s6 =	simm.s32 @!p1 $0x1082;
	[sflag:s4] =	ssyncset.s32 $0xFFFFF086  }
0x25: {  	[simem:s6], [sflag:s4] =	dma.local [hbm:s3], $0xF7A  }
0x26: {  	[smem:$0x3F9E] =	sst s1;
	(tag) =	ssettag s2;
	_ =	strace s9  }
0x27: {  	s1 =	sld [smem:$0x3FAE]  }
0x28: {  	s2 =	sld [smem:$0x3FAF]  }
0x29: {  	s4 =	sld [smem:$0x3FB1]  }
0x2a: {  	p0 =	seq.s32 s5, $0x0;
	s5 =	sld [smem:$0x3FB2]  }
0x2b: {  	s6 =	sld [smem:$0x3FB3]  }
0x2c: {  	s7 =	sld [smem:$0x3FB4]  }
0x2d: {  	s3 =	simm.s32 $0x108;
	s8 =	sld [smem:$0x3FB5]  }
0x2e: {  	s3 =	simm.s32 @!p0 $0x1082;
	s9 =	sld [smem:$0x3FB6]  }
0x2f: {  	lr =	sadd.s32 s0, s3;
	s0 =	sld [smem:$0x3FAD]  }
0x30: {  	s3 =	sld [smem:$0x3FB0]  }
0x31: {  	[smem:$0x3FB9] =	sst s10  }
0x32: {  	s10 =	sld [smem:$0x3FB7];
	_ =	sdelay $0x3  }
0x33: {  	p0 =	seq.s32 s10, $0x1;
	s10 =	sld [smem:$0x3FB9];
	_ =	sdelay $0x3  }
0x34: {  	[smem:$0x3FB9] =	sst s10  }
0x35: {  	s10 =	sld [smem:$0x3FB8];
	_ =	sdelay $0x3  }
0x36: {  	p1 =	seq.s32 s10, $0x1;
	s10 =	sld [smem:$0x3FB9];
	_ =	sdelay $0x3  }
0x37: {  	[smem:$0x3FB9] =	sst s10  }
0x38: {  	s10 =	sld [smem:$0x3FBA]  }
0x39: {  	_ = 	snop;
	(pc) =	sbr.ind lr, $3  }
0x3a: {  	_ = 	snop  }
0x3b: {  	_ = 	snop  }
0x3c: {  	p2 =	seq.s32 s10, $0x1;
	s10 =	sld [smem:$0x3FB9]  }
0x3d: {  	_ =	shalt  }
0x3e: {  	_ =	shalt  }
0x3f: {  	_ =	shalt  }
0x40: {  	_ =	shalt  }
0x41: {  	_ =	shalt  }
0x42: {  	_ =	shalt  }
0x43: {  	_ =	shalt  }
0x44: {  	_ =	shalt  }
0x45: {  	_ =	shalt  }
0x46: {  	_ =	shalt  }
0x47: {  	_ =	shalt  }
0x48: {  	_ =	shalt  }
0x49: {  	_ =	shalt  }
0x4a: {  	_ =	shalt  }
0x4b: {  	_ =	shalt  }
0x4c: {  	_ =	shalt  }
0x4d: {  	_ =	shalt  }
0x4e: {  	_ =	shalt  }
0x4f: {  	_ =	shalt  }
0x50: {  	_ =	shalt  }
0x51: {  	_ =	shalt  }
0x52: {  	_ =	shalt  }
0x53: {  	_ =	shalt  }
0x54: {  	_ =	shalt  }
0x55: {  	_ =	shalt  }
0x56: {  	_ =	shalt  }
0x57: {  	_ =	shalt  }
0x58: {  	_ =	shalt  }
0x59: {  	_ =	shalt  }
0x5a: {  	_ =	shalt  }
0x5b: {  	_ =	shalt  }
0x5c: {  	_ =	shalt  }
0x5d: {  	_ =	shalt  }
0x5e: {  	_ =	shalt  }
0x5f: {  	_ =	shalt  }
0x60: {  	_ =	shalt  }
0x61: {  	_ =	shalt  }
0x62: {  	_ =	shalt  }
0x63: {  	_ =	shalt  }
0x64: {  	_ =	shalt  }
0x65: {  	_ =	shalt  }
0x66: {  	_ =	shalt  }
0x67: {  	_ =	shalt  }
0x68: {  	_ =	shalt  }
0x69: {  	_ =	shalt  }
0x6a: {  	_ =	shalt  }
0x6b: {  	_ =	shalt  }
0x6c: {  	_ =	shalt  }
0x6d: {  	_ =	shalt  }
0x6e: {  	_ =	shalt  }
0x6f: {  	_ =	shalt  }
0x70: {  	_ =	shalt  }
0x71: {  	_ =	shalt  }
0x72: {  	_ =	shalt  }
0x73: {  	_ =	shalt  }
0x74: {  	_ =	shalt  }
0x75: {  	_ =	shalt  }
0x76: {  	_ =	shalt  }
0x77: {  	_ =	shalt  }
0x78: {  	_ =	shalt  }
0x79: {  	_ =	shalt  }
0x7a: {  	_ =	shalt  }
0x7b: {  	_ =	shalt  }
0x7c: {  	_ =	shalt  }
0x7d: {  	_ =	shalt  }
0x7e: {  	_ =	shalt  }
0x7f: {  	_ =	shalt  }
0x80: {  	_ =	shalt  }
0x81: {  	_ =	shalt  }
0x82: {  	_ =	shalt  }
0x83: {  	_ =	shalt  }
0x84: {  	_ =	shalt  }
0x85: {  	_ =	shalt  }
0x86: {  	_ =	shalt  }
0x87: {  	_ =	shalt  }
.Lfunc_end0:
.L_simem_size_0:
called_computation_lowered:
.L_overlay_start_0:
0x88: {  	s2 =	sld [smem:$0x3FD9]  }
0x89: {  	s3 =	sld [smem:$0x3FFE];
	_ =	sdelay $0x1  }
0x8a: {  	s1 =	srdreg.scid  }
0x8b: {  	s0 =	sand.u32 $0x1, s1  }
0x8c: {  	s17 =	sshll.u32 s0, $0xA;
	s2 =	sadd.s32 s3, s2  }
0x8d: {  	s2 =	sadd.s32 s2, s17  }
0x8e: {  	[smem:$0x3FC5] =	sst s2  }
0x8f: {  	_ = 	snop  }
0x90: {  	s2 =	sld [smem:$0x3FC8]  }
0x91: {  	s18 =	sld [smem:$0x3FD0];
	(tm) =	ssettm $0x1  }
0x92: {  	s4 =	sld [smem:$0x3FFB];
	_ =	sdelay $0x3  }
0x93: {  	_ =	strace s4  }
0x94: {  	s4 =	sld [smem:$0x3FFC];
	_ =	sdelay $0x3  }
0x95: {  	_ =	strace s4  }
0x96: {  	s4 =	sld [smem:$0x3FFD];
	_ =	sdelay $0x3  }
0x97: {  	_ =	strace s4  }
0x98: {  	_ =	strace $0x8FFFFFFF  }
0x99: {  	s19 =	sld [smem:$0x3FDB];
	_ =	sdelay $0x1  }
0x9a: {  	s5 =	simm.s32 $_scs_section_size  }
0x9b: {  	s6 =	simm.s32 $_size__tile_overlayer_lowered;
	s7 =	simm.s32 $_tile_overlayer_lowered  }
0x9c: {  	s22 =	simm.s32 $0x1BFF;
	s21 =	sshll.u32 s7, $0x1;
	s4 =	sadd.s32 s5, s19  }
0x9d: {  	s8 =	simm.s32 $0x0;
	s20 =	sshll.u32 s6, $0x1;
	s6 =	sadd.s32 s21, s4  }
0x9e: {  	[timem:s8], [sflag:s22] =	dma.local [hbm:s6], s20  }
0x9f: {  	_ =	swait.ge [sflag:s22], s20  }
0xa0: {  	s5 =	ssub.s32 $0x0, s20;
	[sflag:s22] =	ssyncset.done $0x0  }
0xa1: {  	[sflag:s22] =	ssyncadd.s32 s5;
	_ =	sdelay $0x1  }
0xa2: {  	s23 =	simm.s32 $0x1B8B  }
0xa3: {  	_ =	swait.ge [sflag:s23], $0x1  }
0xa4: {  	[sflag:s23] =	ssyncset.done $0x0  }
0xa5: {  	s25 =	simm.s32 $0x1B8E;
	s24 =	sld [smem:$0x3FFE];
	[sflag:s23] =	ssyncadd.s32 $0xFFFFFFFF  }
0xa6: {  	s26 =	simm.s32 $execute0_lowered;
	[smem:$0x3FD2] =	sst s25  }
0xa7: {  	s6 =	sshll.u32 s26, $0x1;
	_ =	strace $0x80000046;
	[dreg:$0x1] =	wrdreg $0xFFFFFFFF  }
0xa8: {  	s28 =	simm.s32 $_size_execute0_lowered;
	s4 =	sadd.s32 s4, s6;
	[dreg:$0x0] =	wrdreg $0x0  }
0xa9: {  	s6 =	sshll.u32 s28, $0x1;
	[dreg:$0x2] =	wrdreg s4  }
0xaa: {  	[dreg:$0x3] =	wrdreg s6  }
0xab: {  	[dreg:$0x4] =	wrdreg $0xC0  }
0xac: {  	_ =	task [dreg:s8], $0x5FFFF  }
0xad: {  	[dreg:$0x1] =	wrdreg $0xFFFFFFFF  }
0xae: {  	[dreg:$0x0] =	wrdreg $0x60  }
0xaf: {  	[dreg:$0x2] =	wrdreg s18  }
0xb0: {  	[dreg:$0x3] =	wrdreg s2  }
0xb1: {  	[dreg:$0x4] =	wrdreg s24  }
0xb2: {  	[dreg:$0x5] =	wrdreg $0x9  }
0xb3: {  	_ =	task.clear_ibuf [dreg:s8], $0x6FFFF;
	_ =	strace $0x90000046  }
0xb4: {  	s29 =	simm.s32 $0x9;
	_ =	strace $0x80000048  }
0xb5: {  	_ =	swait.ge [sflag:s29], $0x1  }
0xb6: {  	[sflag:s29] =	ssyncadd.s32 $0xFFFFFFFF  }
0xb7: {  	_ =	strace $0x90000048  }
0xb8: {  	_ =	sfence  }
0xb9: {  	s30 =	sld [smem:$0x0];
	_ =	sdelay $0x2  }
0xba: {  	s31 =	sshll.u32 s1, $0xD;
	s1 =	sshrl.u32 s1, $0x2  }
0xbb: {  	s3 =	sand.u32 $0x4000, s31;
	s1 =	sadd.s32 s1, s30  }
0xbc: {  	s0 =	sor.u32 s3, s0;
	s1 =	sshll.u32 s1, $0x11  }
0xbd: {  	s0 =	sor.u32 s1, s0  }
0xbe: {  	s0 =	sadd.s32 $0x8F2B, s0  }
0xbf: {  	[sflag:s0] =	ssyncadd.remote.s32 $0x1  }
0xc0: {  	_ =	sfence.sel $0xFFFF  }
0xc1: {  	[dreg:$0x0] =	wrdreg $0xFFFFFFFF;
	(pc) =	sbr.abs _section_cstart, $3  }
0xc2: {  	[dreg:$0x1] =	wrdreg $0xFFFFFFFF  }
0xc3: {  	_ =	task.clear_ibuf [dreg:s8], $0x2FFFF;
	_ =	strace $0x9FFFFFFF  }
0xc4: {  	(tm) =	ssettm $0x7FFFFFFF  }
0xc5: {  	_ =	shalt  }
tec
execute0_lowered:
.L_overlay_start_1:
0x0: {  	(tag) =	ssettag $0x1  }
0x1: {  	s0 =	rddreg [dreg:$0x0]  }
0x2: {  	s2 =	rddreg [dreg:$0x1]  }
0x3: {  	s1 =	rddreg [dreg:$0x2];
	s3 =	srdreg.scid  }
0x4: {  	s9 =	stileid.u32;
	s28 =	simm.s32 $0x6800;
	s30 =	simm.s32 $0x9000  }
0x5: {  	s29 =	simm.s32 $0x1;
	s31 =	simm.s32 $0x2;
	s4 =	sand.u32 $0x1, s3  }
0x6: {  	s5 =	sshll.u32 s9, $0x1;
	s3 =	simm.s32 $0x0;
	s1 =	sadd.s32 $0x600, s1  }
0x7: {  	s18 =	smul.u32 $0x50000, s9;
	s9 =	simm.s32 $0x9;
	s6 =	ssub.s32 $0x2, s4  }
0x8: {  	s5 =	sor.u32 s4, s5;
	[smem:$0x7FF] =	sst s3;
	s4 =	smul.u32 $0x28000, s4  }
0x9: {  	s7 =	sshrl.u32 s6, $0x1;
	s8 =	smul.u32 $0x28000, s5;
	s26 =	sshll.u32 s5, $0xB  }
0xa: {  	_ =	strace $0x80000047;
	s5 =	smul.u32 $0x140000, s5;
	s0 =	sadd.s32 s0, s26  }
0xb: {  	s6 =	ssub.s32 s6, s7;
	s8 =	sadd.s32 s1, s8;
	[dreg:$0x5] =	wrdreg s0  }
0xc: {  	s13 =	sshrl.u32 s5, $0x3;
	s25 =	smax.u32 s6, $0x1;
	[dreg:$0x4] =	wrdreg s8  }
0xd: {  	s5 =	simm.s32 $0x13000;
	s7 =	sadd.s32 $0x500, s8;
	[dreg:$0x15] =	wrdreg s25  }
0xe: {  	s6 =	simm.s32 $0x3;
	s10 =	sadd.s32 $0xA00, s8;
	[dreg:$0x6] =	wrdreg s7  }
0xf: {  	s11 =	sadd.s32 $0xF00, s8;
	s12 =	sadd.s32 $0x1400, s8;
	[dreg:$0x7] =	wrdreg s10  }
0x10: {  	s14 =	sadd.s32 $0x1900, s8;
	s15 =	sadd.s32 $0x1E00, s8;
	[dreg:$0x8] =	wrdreg s11  }
0x11: {  	s0 =	sadd.s32 s1, s13;
	s16 =	sadd.s32 $0x2300, s8;
	[dreg:$0x9] =	wrdreg s12  }
0x12: {  	s1 =	sadd.s32 s18, s1;
	s25 =	simm.s32 $0x4000;
	[dreg:$0xa] =	wrdreg s14  }
0x13: {  	s8 =	simm.s32 $0x4;
	s13 =	simm.s32 $0xB;
	[dreg:$0xb] =	wrdreg s15  }
0x14: {  	s18 =	simm.s32 $0xE;
	[dreg:$0xc] =	wrdreg s16;
	s17 =	sadd.s32 $0x25800, s0  }
0x15: {  	s19 =	sadd.s32 $0x25D00, s0;
	s20 =	sadd.s32 $0x26200, s0;
	[dreg:$0xd] =	wrdreg s17  }
0x16: {  	s21 =	sadd.s32 $0x26700, s0;
	s22 =	sadd.s32 $0x26C00, s0;
	[dreg:$0xe] =	wrdreg s19  }
0x17: {  	s23 =	sadd.s32 $0x27100, s0;
	s24 =	sadd.s32 $0x27600, s0;
	[dreg:$0xf] =	wrdreg s20  }
0x18: {  	s1 =	sadd.s32 s4, s1;
	s0 =	sadd.s32 $0x27B00, s0;
	[dreg:$0x10] =	wrdreg s21  }
0x19: {  	s7 =	simm.s32 $0x15800;
	s10 =	simm.s32 $0x5;
	[dreg:$0x11] =	wrdreg s22  }
0x1a: {  	s11 =	simm.s32 $0xA;
	s12 =	simm.s32 $0x6;
	[dreg:$0x12] =	wrdreg s23  }
0x1b: {  	s14 =	simm.s32 $0x7;
	s15 =	simm.s32 $0xC;
	[dreg:$0x13] =	wrdreg s24  }
0x1c: {  	s16 =	simm.s32 $0x8;
	[dreg:$0x14] =	wrdreg s0;
	s26 =	sadd.s32 $0x2800, s1  }
0x1d: {  	s24 =	simm.s32 $0x4D;
	s0 =	simm.s32 $0xB800;
	s1 =	simm.s32 $0x10800  }
0x1e: {  	s17 =	simm.s32 $0xD;
	s19 =	simm.s32 $0xF;
	s20 =	simm.s32 $0x10  }
0x1f: {  	s21 =	simm.s32 $0x0;
	[dreg:$0x16] =	wrdreg s26;
	s26 =	simm.s32 $0xE000  }
.LBB2_1:
0x20: {  	[dreg:$0x17] =	wrdreg s21  }
0x21: {  	s4 =	rddreg [dreg:$0x5];
	s23 =	simm.s32 $0x11  }
0x22: {  	[tilespmem:s3], [sflag:$0x11] =	stream.linear.gather [hbm4b:s4+s3], $0x4000, $0x38;
	[tilespmem:$0x18000] =	vst v63  }
0x23: {  	_ =	swait.ge [sflag:s23], $0x4000  }
0x24: {  	[sflag:s23] =	ssyncset.done $0x0  }
0x25: {  	[sflag:s23] =	ssyncadd.s32 $0xFFFFC000  }
0x26: {  	[tilespmem:s25], [sflag:$0x1] =	stream.indirect.gather [hbm4b:s2+s24], $0x80, s3, s24, $0xb8;
	[tilespmem:$0x18000] =	vst v63  }
0x27: {  	s21 =	simm.s32 $0x80  }
0x28: {  	[tilespmem:s28], [sflag:$0x2] =	stream.indirect.gather [hbm4b:s2+s24], $0x80, s21, s24, $0xb8;
	[tilespmem:$0x18000] =	vst v63  }
0x29: {  	s22 =	simm.s32 $0x100  }
0x2a: {  	[tilespmem:s30], [sflag:$0x3] =	stream.indirect.gather [hbm4b:s2+s24], $0x80, s22, s24, $0xb8;
	[tilespmem:$0x18000] =	vst v63  }
0x2b: {  	s23 =	simm.s32 $0x180  }
0x2c: {  	[tilespmem:s0], [sflag:$0x4] =	stream.indirect.gather [hbm4b:s2+s24], $0x80, s23, s24, $0xb8;
	[tilespmem:$0x18000] =	vst v63  }
0x2d: {  	s21 =	simm.s32 $0x200  }
0x2e: {  	[tilespmem:s26], [sflag:$0x5] =	stream.indirect.gather [hbm4b:s2+s24], $0x80, s21, s24, $0xb8;
	[tilespmem:$0x18000] =	vst v63  }
0x2f: {  	_ =	swait.ge [sflag:s29], $0x2680  }
0x30: {  	[sflag:s29] =	ssyncset.done $0x0  }
0x31: {  	s22 =	rddreg [dreg:$0x4];
	[sflag:s29] =	ssyncadd.s32 $0xFFFFD980  }
0x32: {  	[hbm4b:s22+s3] =	stream.linear.scatter [tilespmem:s25], [sflag:$0x9], $0x2800, $0x38;
	[tilespmem:$0x18000] =	vst v63  }
0x33: {  	s23 =	simm.s32 $0x280  }
0x34: {  	[tilespmem:s1], [sflag:$0x6] =	stream.indirect.gather [hbm4b:s2+s24], $0x80, s23, s24, $0xb8;
	[tilespmem:$0x18000] =	vst v63  }
0x35: {  	_ =	swait.ge [sflag:s31], $0x2680  }
0x36: {  	[sflag:s31] =	ssyncset.done $0x0  }
0x37: {  	s21 =	rddreg [dreg:$0x6];
	[sflag:s31] =	ssyncadd.s32 $0xFFFFD980  }
0x38: {  	[hbm4b:s21+s3] =	stream.linear.scatter [tilespmem:s28], [sflag:$0xA], $0x2800, $0x38;
	[tilespmem:$0x18000] =	vst v63  }
0x39: {  	s22 =	simm.s32 $0x300  }
0x3a: {  	[tilespmem:s5], [sflag:$0x7] =	stream.indirect.gather [hbm4b:s2+s24], $0x80, s22, s24, $0xb8;
	[tilespmem:$0x18000] =	vst v63  }
0x3b: {  	_ =	swait.ge [sflag:s6], $0x2680  }
0x3c: {  	[sflag:s6] =	ssyncset.done $0x0  }
0x3d: {  	s23 =	rddreg [dreg:$0x7];
	[sflag:s6] =	ssyncadd.s32 $0xFFFFD980  }
0x3e: {  	[hbm4b:s23+s3] =	stream.linear.scatter [tilespmem:s30], [sflag:$0xB], $0x2800, $0x38;
	[tilespmem:$0x18000] =	vst v63  }
0x3f: {  	s21 =	simm.s32 $0x380  }
0x40: {  	[tilespmem:s7], [sflag:$0x8] =	stream.indirect.gather [hbm4b:s2+s24], $0x80, s21, s24, $0xb8;
	[tilespmem:$0x18000] =	vst v63  }
0x41: {  	_ =	swait.ge [sflag:s8], $0x2680  }
0x42: {  	[sflag:s8] =	ssyncset.done $0x0  }
0x43: {  	s22 =	rddreg [dreg:$0x8];
	[sflag:s8] =	ssyncadd.s32 $0xFFFFD980  }
0x44: {  	[hbm4b:s22+s3] =	stream.linear.scatter [tilespmem:s0], [sflag:$0xC], $0x2800, $0x38;
	[tilespmem:$0x18000] =	vst v63  }
0x45: {  	_ =	swait.ge [sflag:s9], $0x2800  }
0x46: {  	[sflag:s9] =	ssyncset.done $0x0  }
0x47: {  	s23 =	simm.s32 $0x400;
	[sflag:s9] =	ssyncadd.s32 $0xFFFFD800  }
0x48: {  	[tilespmem:s25], [sflag:$0x1] =	stream.indirect.gather [hbm4b:s2+s24], $0x80, s23, s24, $0xb8;
	[tilespmem:$0x18000] =	vst v63  }
0x49: {  	_ =	swait.ge [sflag:s10], $0x2680  }
0x4a: {  	[sflag:s10] =	ssyncset.done $0x0  }
0x4b: {  	s21 =	rddreg [dreg:$0x9];
	[sflag:s10] =	ssyncadd.s32 $0xFFFFD980  }
0x4c: {  	[hbm4b:s21+s3] =	stream.linear.scatter [tilespmem:s26], [sflag:$0xD], $0x2800, $0x38;
	[tilespmem:$0x18000] =	vst v63  }
0x4d: {  	_ =	swait.ge [sflag:s11], $0x2800  }
0x4e: {  	[sflag:s11] =	ssyncset.done $0x0  }
0x4f: {  	s22 =	simm.s32 $0x480;
	[sflag:s11] =	ssyncadd.s32 $0xFFFFD800  }
0x50: {  	[tilespmem:s28], [sflag:$0x2] =	stream.indirect.gather [hbm4b:s2+s24], $0x80, s22, s24, $0xb8;
	[tilespmem:$0x18000] =	vst v63  }
0x51: {  	_ =	swait.ge [sflag:s12], $0x2680  }
0x52: {  	[sflag:s12] =	ssyncset.done $0x0  }
0x53: {  	s23 =	rddreg [dreg:$0xa];
	[sflag:s12] =	ssyncadd.s32 $0xFFFFD980  }
0x54: {  	[hbm4b:s23+s3] =	stream.linear.scatter [tilespmem:s1], [sflag:$0xE], $0x2800, $0x38;
	[tilespmem:$0x18000] =	vst v63  }
0x55: {  	_ =	swait.ge [sflag:s13], $0x2800  }
0x56: {  	[sflag:s13] =	ssyncset.done $0x0  }
0x57: {  	s21 =	simm.s32 $0x500;
	[sflag:s13] =	ssyncadd.s32 $0xFFFFD800  }
0x58: {  	[tilespmem:s30], [sflag:$0x3] =	stream.indirect.gather [hbm4b:s2+s24], $0x80, s21, s24, $0xb8;
	[tilespmem:$0x18000] =	vst v63  }
0x59: {  	_ =	swait.ge [sflag:s14], $0x2680  }
0x5a: {  	[sflag:s14] =	ssyncset.done $0x0  }
0x5b: {  	s22 =	rddreg [dreg:$0xb];
	[sflag:s14] =	ssyncadd.s32 $0xFFFFD980  }
0x5c: {  	[hbm4b:s22+s3] =	stream.linear.scatter [tilespmem:s5], [sflag:$0xF], $0x2800, $0x38;
	[tilespmem:$0x18000] =	vst v63  }
0x5d: {  	_ =	swait.ge [sflag:s15], $0x2800  }
0x5e: {  	[sflag:s15] =	ssyncset.done $0x0  }
0x5f: {  	s23 =	simm.s32 $0x580;
	[sflag:s15] =	ssyncadd.s32 $0xFFFFD800  }
0x60: {  	[tilespmem:s0], [sflag:$0x4] =	stream.indirect.gather [hbm4b:s2+s24], $0x80, s23, s24, $0xb8;
	[tilespmem:$0x18000] =	vst v63  }
0x61: {  	_ =	swait.ge [sflag:s16], $0x2680  }
0x62: {  	[sflag:s16] =	ssyncset.done $0x0  }
0x63: {  	s21 =	rddreg [dreg:$0xc];
	[sflag:s16] =	ssyncadd.s32 $0xFFFFD980  }
0x64: {  	[hbm4b:s21+s3] =	stream.linear.scatter [tilespmem:s7], [sflag:$0x10], $0x2800, $0x38;
	[tilespmem:$0x18000] =	vst v63  }
0x65: {  	_ =	swait.ge [sflag:s17], $0x2800  }
0x66: {  	[sflag:s17] =	ssyncset.done $0x0  }
0x67: {  	s22 =	simm.s32 $0x600;
	[sflag:s17] =	ssyncadd.s32 $0xFFFFD800  }
0x68: {  	[tilespmem:s26], [sflag:$0x5] =	stream.indirect.gather [hbm4b:s2+s24], $0x80, s22, s24, $0xb8;
	[tilespmem:$0x18000] =	vst v63  }
0x69: {  	_ =	swait.ge [sflag:s29], $0x2680  }
0x6a: {  	[sflag:s29] =	ssyncset.done $0x0  }
0x6b: {  	s22 =	rddreg [dreg:$0x16];
	[sflag:s29] =	ssyncadd.s32 $0xFFFFD980  }
0x6c: {  	[hbm4b:s22+s3] =	stream.linear.scatter [tilespmem:s25], [sflag:$0x9], $0x2800, $0x38;
	[tilespmem:$0x18000] =	vst v63  }
0x6d: {  	_ =	swait.ge [sflag:s18], $0x2800  }
0x6e: {  	[sflag:s18] =	ssyncset.done $0x0  }
0x6f: {  	s23 =	simm.s32 $0x680;
	[sflag:s18] =	ssyncadd.s32 $0xFFFFD800  }
0x70: {  	[tilespmem:s1], [sflag:$0x6] =	stream.indirect.gather [hbm4b:s2+s24], $0x80, s23, s24, $0xb8;
	[tilespmem:$0x18000] =	vst v63  }
0x71: {  	_ =	swait.ge [sflag:s31], $0x2680  }
0x72: {  	[sflag:s31] =	ssyncset.done $0x0  }
0x73: {  	s21 =	sadd.s32 $0x500, s22;
	[sflag:s31] =	ssyncadd.s32 $0xFFFFD980  }
0x74: {  	[hbm4b:s21+s3] =	stream.linear.scatter [tilespmem:s28], [sflag:$0xA], $0x2800, $0x38;
	[tilespmem:$0x18000] =	vst v63  }
0x75: {  	_ =	swait.ge [sflag:s19], $0x2800  }
0x76: {  	[sflag:s19] =	ssyncset.done $0x0  }
0x77: {  	s23 =	simm.s32 $0x700;
	[sflag:s19] =	ssyncadd.s32 $0xFFFFD800  }
0x78: {  	[tilespmem:s5], [sflag:$0x7] =	stream.indirect.gather [hbm4b:s2+s24], $0x80, s23, s24, $0xb8;
	[tilespmem:$0x18000] =	vst v63  }
0x79: {  	_ =	swait.ge [sflag:s6], $0x2680  }
0x7a: {  	[sflag:s6] =	ssyncset.done $0x0  }
0x7b: {  	s21 =	sadd.s32 $0xA00, s22;
	[sflag:s6] =	ssyncadd.s32 $0xFFFFD980  }
0x7c: {  	[hbm4b:s21+s3] =	stream.linear.scatter [tilespmem:s30], [sflag:$0xB], $0x2800, $0x38;
	[tilespmem:$0x18000] =	vst v63  }
0x7d: {  	_ =	swait.ge [sflag:s20], $0x2800  }
0x7e: {  	[sflag:s20] =	ssyncset.done $0x0  }
0x7f: {  	s23 =	simm.s32 $0x780;
	[sflag:s20] =	ssyncadd.s32 $0xFFFFD800  }
0x80: {  	[tilespmem:s7], [sflag:$0x8] =	stream.indirect.gather [hbm4b:s2+s24], $0x80, s23, s24, $0xb8;
	[tilespmem:$0x18000] =	vst v63  }
0x81: {  	_ =	swait.ge [sflag:s8], $0x2680  }
0x82: {  	[sflag:s8] =	ssyncset.done $0x0  }
0x83: {  	s21 =	sadd.s32 $0xF00, s22;
	[sflag:s8] =	ssyncadd.s32 $0xFFFFD980  }
0x84: {  	[hbm4b:s21+s3] =	stream.linear.scatter [tilespmem:s0], [sflag:$0xC], $0x2800, $0x38;
	[tilespmem:$0x18000] =	vst v63  }
0x85: {  	_ =	swait.ge [sflag:s9], $0x2800  }
0x86: {  	[sflag:s9] =	ssyncset.done $0x0  }
0x87: {  	s23 =	simm.s32 $0x800;
	[sflag:s9] =	ssyncadd.s32 $0xFFFFD800  }
0x88: {  	[tilespmem:s25], [sflag:$0x1] =	stream.indirect.gather [hbm4b:s2+s24], $0x80, s23, s24, $0xb8;
	[tilespmem:$0x18000] =	vst v63  }
0x89: {  	_ =	swait.ge [sflag:s10], $0x2680  }
0x8a: {  	[sflag:s10] =	ssyncset.done $0x0  }
0x8b: {  	s21 =	sadd.s32 $0x1400, s22;
	[sflag:s10] =	ssyncadd.s32 $0xFFFFD980  }
0x8c: {  	[hbm4b:s21+s3] =	stream.linear.scatter [tilespmem:s26], [sflag:$0xD], $0x2800, $0x38;
	[tilespmem:$0x18000] =	vst v63  }
0x8d: {  	_ =	swait.ge [sflag:s11], $0x2800  }
0x8e: {  	[sflag:s11] =	ssyncset.done $0x0  }
0x8f: {  	s23 =	simm.s32 $0x880;
	[sflag:s11] =	ssyncadd.s32 $0xFFFFD800  }
0x90: {  	[tilespmem:s28], [sflag:$0x2] =	stream.indirect.gather [hbm4b:s2+s24], $0x80, s23, s24, $0xb8;
	[tilespmem:$0x18000] =	vst v63  }
0x91: {  	_ =	swait.ge [sflag:s12], $0x2680  }
0x92: {  	[sflag:s12] =	ssyncset.done $0x0  }
0x93: {  	s21 =	sadd.s32 $0x1900, s22;
	[sflag:s12] =	ssyncadd.s32 $0xFFFFD980  }
0x94: {  	[hbm4b:s21+s3] =	stream.linear.scatter [tilespmem:s1], [sflag:$0xE], $0x2800, $0x38;
	[tilespmem:$0x18000] =	vst v63  }
0x95: {  	_ =	swait.ge [sflag:s13], $0x2800  }
0x96: {  	[sflag:s13] =	ssyncset.done $0x0  }
0x97: {  	s23 =	simm.s32 $0x900;
	[sflag:s13] =	ssyncadd.s32 $0xFFFFD800  }
0x98: {  	[tilespmem:s30], [sflag:$0x3] =	stream.indirect.gather [hbm4b:s2+s24], $0x80, s23, s24, $0xb8;
	[tilespmem:$0x18000] =	vst v63  }
0x99: {  	_ =	swait.ge [sflag:s14], $0x2680  }
0x9a: {  	[sflag:s14] =	ssyncset.done $0x0  }
0x9b: {  	s21 =	sadd.s32 $0x1E00, s22;
	[sflag:s14] =	ssyncadd.s32 $0xFFFFD980  }
0x9c: {  	[hbm4b:s21+s3] =	stream.linear.scatter [tilespmem:s5], [sflag:$0xF], $0x2800, $0x38;
	[tilespmem:$0x18000] =	vst v63  }
0x9d: {  	_ =	swait.ge [sflag:s15], $0x2800  }
0x9e: {  	[sflag:s15] =	ssyncset.done $0x0  }
0x9f: {  	s23 =	simm.s32 $0x980;
	[sflag:s15] =	ssyncadd.s32 $0xFFFFD800  }
0xa0: {  	[tilespmem:s0], [sflag:$0x4] =	stream.indirect.gather [hbm4b:s2+s24], $0x80, s23, s24, $0xb8;
	[tilespmem:$0x18000] =	vst v63  }
0xa1: {  	_ =	swait.ge [sflag:s16], $0x2680  }
0xa2: {  	s4 =	simm.s32 $0x1000;
	[sflag:s16] =	ssyncset.done $0x0  }
0xa3: {  	s21 =	sadd.s32 $0x2300, s22;
	s23 =	sadd.s32 $0x2800, s22;
	[sflag:s16] =	ssyncadd.s32 $0xFFFFD980  }
.LBB2_2:
0xa4: {  	[hbm4b:s21+s3] =	stream.linear.scatter [tilespmem:s7], [sflag:$0x10], $0x2800, $0x38;
	[tilespmem:$0x18000] =	vst v63  }
0xa5: {  	s21 =	smov.u32 s4  }
0xa6: {  	p0 =	sne.s32 s4, $0xD000;
	s4 =	sadd.s32 $0x1000, s4;
	_ =	swait.ge [sflag:s17], $0x2800  }
0xa7: {  	s21 =	sshra.s32 s21, $0x2;
	[sflag:s17] =	ssyncset.done $0x0  }
0xa8: {  	s22 =	sadd.s32 $0x600, s21;
	[sflag:s17] =	ssyncadd.s32 $0xFFFFD800  }
0xa9: {  	[tilespmem:s26], [sflag:$0x5] =	stream.indirect.gather [hbm4b:s2+s24], $0x80, s22, s24, $0xb8;
	[tilespmem:$0x18000] =	vst v63  }
0xaa: {  	_ =	swait.ge [sflag:s29], $0x2680  }
0xab: {  	[sflag:s29] =	ssyncset.done $0x0  }
0xac: {  	[sflag:s29] =	ssyncadd.s32 $0xFFFFD980  }
0xad: {  	[hbm4b:s23+s3] =	stream.linear.scatter [tilespmem:s25], [sflag:$0x9], $0x2800, $0x38;
	[tilespmem:$0x18000] =	vst v63  }
0xae: {  	_ =	swait.ge [sflag:s18], $0x2800  }
0xaf: {  	[sflag:s18] =	ssyncset.done $0x0  }
0xb0: {  	s22 =	sadd.s32 $0x680, s21;
	[sflag:s18] =	ssyncadd.s32 $0xFFFFD800  }
0xb1: {  	[tilespmem:s1], [sflag:$0x6] =	stream.indirect.gather [hbm4b:s2+s24], $0x80, s22, s24, $0xb8;
	[tilespmem:$0x18000] =	vst v63  }
0xb2: {  	_ =	swait.ge [sflag:s31], $0x2680  }
0xb3: {  	[sflag:s31] =	ssyncset.done $0x0  }
0xb4: {  	s22 =	sadd.s32 $0x500, s23;
	[sflag:s31] =	ssyncadd.s32 $0xFFFFD980  }
0xb5: {  	[hbm4b:s22+s3] =	stream.linear.scatter [tilespmem:s28], [sflag:$0xA], $0x2800, $0x38;
	[tilespmem:$0x18000] =	vst v63  }
0xb6: {  	_ =	swait.ge [sflag:s19], $0x2800  }
0xb7: {  	[sflag:s19] =	ssyncset.done $0x0  }
0xb8: {  	s22 =	sadd.s32 $0x700, s21;
	[sflag:s19] =	ssyncadd.s32 $0xFFFFD800  }
0xb9: {  	[tilespmem:s5], [sflag:$0x7] =	stream.indirect.gather [hbm4b:s2+s24], $0x80, s22, s24, $0xb8;
	[tilespmem:$0x18000] =	vst v63  }
0xba: {  	_ =	swait.ge [sflag:s6], $0x2680  }
0xbb: {  	[sflag:s6] =	ssyncset.done $0x0  }
0xbc: {  	s22 =	sadd.s32 $0xA00, s23;
	[sflag:s6] =	ssyncadd.s32 $0xFFFFD980  }
0xbd: {  	[hbm4b:s22+s3] =	stream.linear.scatter [tilespmem:s30], [sflag:$0xB], $0x2800, $0x38;
	[tilespmem:$0x18000] =	vst v63  }
0xbe: {  	_ =	swait.ge [sflag:s20], $0x2800  }
0xbf: {  	[sflag:s20] =	ssyncset.done $0x0  }
0xc0: {  	s22 =	sadd.s32 $0x780, s21;
	[sflag:s20] =	ssyncadd.s32 $0xFFFFD800  }
0xc1: {  	[tilespmem:s7], [sflag:$0x8] =	stream.indirect.gather [hbm4b:s2+s24], $0x80, s22, s24, $0xb8;
	[tilespmem:$0x18000] =	vst v63  }
0xc2: {  	_ =	swait.ge [sflag:s8], $0x2680  }
0xc3: {  	[sflag:s8] =	ssyncset.done $0x0  }
0xc4: {  	s22 =	sadd.s32 $0xF00, s23;
	[sflag:s8] =	ssyncadd.s32 $0xFFFFD980  }
0xc5: {  	[hbm4b:s22+s3] =	stream.linear.scatter [tilespmem:s0], [sflag:$0xC], $0x2800, $0x38;
	[tilespmem:$0x18000] =	vst v63  }
0xc6: {  	_ =	swait.ge [sflag:s9], $0x2800  }
0xc7: {  	[sflag:s9] =	ssyncset.done $0x0  }
0xc8: {  	s22 =	sadd.s32 $0x800, s21;
	[sflag:s9] =	ssyncadd.s32 $0xFFFFD800  }
0xc9: {  	[tilespmem:s25], [sflag:$0x1] =	stream.indirect.gather [hbm4b:s2+s24], $0x80, s22, s24, $0xb8;
	[tilespmem:$0x18000] =	vst v63  }
0xca: {  	_ =	swait.ge [sflag:s10], $0x2680  }
0xcb: {  	[sflag:s10] =	ssyncset.done $0x0  }
0xcc: {  	s22 =	sadd.s32 $0x1400, s23;
	[sflag:s10] =	ssyncadd.s32 $0xFFFFD980  }
0xcd: {  	[hbm4b:s22+s3] =	stream.linear.scatter [tilespmem:s26], [sflag:$0xD], $0x2800, $0x38;
	[tilespmem:$0x18000] =	vst v63  }
0xce: {  	_ =	swait.ge [sflag:s11], $0x2800  }
0xcf: {  	[sflag:s11] =	ssyncset.done $0x0  }
0xd0: {  	s22 =	sadd.s32 $0x880, s21;
	[sflag:s11] =	ssyncadd.s32 $0xFFFFD800  }
0xd1: {  	[tilespmem:s28], [sflag:$0x2] =	stream.indirect.gather [hbm4b:s2+s24], $0x80, s22, s24, $0xb8;
	[tilespmem:$0x18000] =	vst v63  }
0xd2: {  	_ =	swait.ge [sflag:s12], $0x2680  }
0xd3: {  	[sflag:s12] =	ssyncset.done $0x0  }
0xd4: {  	s22 =	sadd.s32 $0x1900, s23;
	[sflag:s12] =	ssyncadd.s32 $0xFFFFD980  }
0xd5: {  	[hbm4b:s22+s3] =	stream.linear.scatter [tilespmem:s1], [sflag:$0xE], $0x2800, $0x38;
	[tilespmem:$0x18000] =	vst v63  }
0xd6: {  	_ =	swait.ge [sflag:s13], $0x2800  }
0xd7: {  	[sflag:s13] =	ssyncset.done $0x0  }
0xd8: {  	s22 =	sadd.s32 $0x900, s21;
	[sflag:s13] =	ssyncadd.s32 $0xFFFFD800  }
0xd9: {  	[tilespmem:s30], [sflag:$0x3] =	stream.indirect.gather [hbm4b:s2+s24], $0x80, s22, s24, $0xb8;
	[tilespmem:$0x18000] =	vst v63  }
0xda: {  	_ =	swait.ge [sflag:s14], $0x2680  }
0xdb: {  	[sflag:s14] =	ssyncset.done $0x0  }
0xdc: {  	s22 =	sadd.s32 $0x1E00, s23;
	[sflag:s14] =	ssyncadd.s32 $0xFFFFD980  }
0xdd: {  	[hbm4b:s22+s3] =	stream.linear.scatter [tilespmem:s5], [sflag:$0xF], $0x2800, $0x38;
	[tilespmem:$0x18000] =	vst v63  }
0xde: {  	_ =	swait.ge [sflag:s15], $0x2800  }
0xdf: {  	[sflag:s15] =	ssyncset.done $0x0  }
.Ltmp0:
0xe0: {  	s21 =	sadd.s32 $0x980, s21;
	[sflag:s15] =	ssyncadd.s32 $0xFFFFD800;
	(pc) =	sbr.rel @p0 .LBB2_2-.Ltmp0, $4  }
0xe1: {  	[tilespmem:s0], [sflag:$0x4] =	stream.indirect.gather [hbm4b:s2+s24], $0x80, s21, s24, $0xb8;
	[tilespmem:$0x18000] =	vst v63  }
0xe2: {  	_ =	swait.ge [sflag:s16], $0x2680  }
0xe3: {  	[sflag:s16] =	ssyncset.done $0x0  }
0xe4: {  	s21 =	sadd.s32 $0x2300, s23;
	s23 =	sadd.s32 $0x2800, s23;
	[sflag:s16] =	ssyncadd.s32 $0xFFFFD980  }
0xe5: {  	[hbm4b:s21+s3] =	stream.linear.scatter [tilespmem:s7], [sflag:$0x10], $0x2800, $0x38;
	[tilespmem:$0x18000] =	vst v63  }
0xe6: {  	_ =	swait.ge [sflag:s17], $0x2800  }
0xe7: {  	[sflag:s17] =	ssyncset.done $0x0  }
0xe8: {  	s4 =	simm.s32 $0x3E00;
	[sflag:s17] =	ssyncadd.s32 $0xFFFFD800  }
0xe9: {  	[tilespmem:s26], [sflag:$0x5] =	stream.indirect.gather [hbm4b:s2+s24], $0x80, s4, s24, $0xb8;
	[tilespmem:$0x18000] =	vst v63  }
0xea: {  	_ =	swait.ge [sflag:s29], $0x2680  }
0xeb: {  	[sflag:s29] =	ssyncset.done $0x0  }
0xec: {  	s23 =	rddreg [dreg:$0xd];
	[sflag:s29] =	ssyncadd.s32 $0xFFFFD980  }
0xed: {  	[hbm4b:s23+s3] =	stream.linear.scatter [tilespmem:s25], [sflag:$0x9], $0x2800, $0x38;
	[tilespmem:$0x18000] =	vst v63  }
0xee: {  	_ =	swait.ge [sflag:s18], $0x2800  }
0xef: {  	[sflag:s18] =	ssyncset.done $0x0  }
0xf0: {  	s21 =	simm.s32 $0x3E80;
	[sflag:s18] =	ssyncadd.s32 $0xFFFFD800  }
0xf1: {  	[tilespmem:s1], [sflag:$0x6] =	stream.indirect.gather [hbm4b:s2+s24], $0x80, s21, s24, $0xb8;
	[tilespmem:$0x18000] =	vst v63  }
0xf2: {  	_ =	swait.ge [sflag:s31], $0x2680  }
0xf3: {  	[sflag:s31] =	ssyncset.done $0x0  }
0xf4: {  	s22 =	rddreg [dreg:$0xe];
	[sflag:s31] =	ssyncadd.s32 $0xFFFFD980  }
0xf5: {  	[hbm4b:s22+s3] =	stream.linear.scatter [tilespmem:s28], [sflag:$0xA], $0x2800, $0x38;
	[tilespmem:$0x18000] =	vst v63  }
0xf6: {  	_ =	swait.ge [sflag:s19], $0x2800  }
0xf7: {  	[sflag:s19] =	ssyncset.done $0x0  }
0xf8: {  	s23 =	simm.s32 $0x3F00;
	[sflag:s19] =	ssyncadd.s32 $0xFFFFD800  }
0xf9: {  	[tilespmem:s5], [sflag:$0x7] =	stream.indirect.gather [hbm4b:s2+s24], $0x80, s23, s24, $0xb8;
	[tilespmem:$0x18000] =	vst v63  }
0xfa: {  	_ =	swait.ge [sflag:s6], $0x2680  }
0xfb: {  	[sflag:s6] =	ssyncset.done $0x0  }
0xfc: {  	s21 =	rddreg [dreg:$0xf];
	[sflag:s6] =	ssyncadd.s32 $0xFFFFD980  }
0xfd: {  	[hbm4b:s21+s3] =	stream.linear.scatter [tilespmem:s30], [sflag:$0xB], $0x2800, $0x38;
	[tilespmem:$0x18000] =	vst v63  }
0xfe: {  	_ =	swait.ge [sflag:s20], $0x2800  }
0xff: {  	[sflag:s20] =	ssyncset.done $0x0  }
0x100: {  	s22 =	simm.s32 $0x3F80;
	[sflag:s20] =	ssyncadd.s32 $0xFFFFD800  }
0x101: {  	[tilespmem:s7], [sflag:$0x8] =	stream.indirect.gather [hbm4b:s2+s24], $0x80, s22, s24, $0xb8;
	[tilespmem:$0x18000] =	vst v63  }
0x102: {  	_ =	swait.ge [sflag:s8], $0x2680  }
0x103: {  	[sflag:s8] =	ssyncset.done $0x0  }
0x104: {  	s23 =	rddreg [dreg:$0x10];
	[sflag:s8] =	ssyncadd.s32 $0xFFFFD980  }
0x105: {  	[hbm4b:s23+s3] =	stream.linear.scatter [tilespmem:s0], [sflag:$0xC], $0x2800, $0x38;
	[tilespmem:$0x18000] =	vst v63  }
0x106: {  	_ =	swait.ge [sflag:s10], $0x2680  }
0x107: {  	[sflag:s10] =	ssyncset.done $0x0  }
0x108: {  	s21 =	rddreg [dreg:$0x11];
	[sflag:s10] =	ssyncadd.s32 $0xFFFFD980  }
0x109: {  	[hbm4b:s21+s3] =	stream.linear.scatter [tilespmem:s26], [sflag:$0xD], $0x2800, $0x38;
	[tilespmem:$0x18000] =	vst v63  }
0x10a: {  	_ =	swait.ge [sflag:s12], $0x2680  }
0x10b: {  	[sflag:s12] =	ssyncset.done $0x0  }
0x10c: {  	s22 =	rddreg [dreg:$0x12];
	[sflag:s12] =	ssyncadd.s32 $0xFFFFD980  }
0x10d: {  	[hbm4b:s22+s3] =	stream.linear.scatter [tilespmem:s1], [sflag:$0xE], $0x2800, $0x38;
	[tilespmem:$0x18000] =	vst v63  }
0x10e: {  	_ =	swait.ge [sflag:s14], $0x2680  }
0x10f: {  	[sflag:s14] =	ssyncset.done $0x0  }
0x110: {  	s23 =	rddreg [dreg:$0x13];
	[sflag:s14] =	ssyncadd.s32 $0xFFFFD980  }
0x111: {  	[hbm4b:s23+s3] =	stream.linear.scatter [tilespmem:s5], [sflag:$0xF], $0x2800, $0x38;
	[tilespmem:$0x18000] =	vst v63  }
0x112: {  	_ =	swait.ge [sflag:s16], $0x2680  }
0x113: {  	[sflag:s16] =	ssyncset.done $0x0  }
0x114: {  	s21 =	rddreg [dreg:$0x14];
	[sflag:s16] =	ssyncadd.s32 $0xFFFFD980  }
0x115: {  	[hbm4b:s21+s3] =	stream.linear.scatter [tilespmem:s7], [sflag:$0x10], $0x2800, $0x38;
	[tilespmem:$0x18000] =	vst v63  }
0x116: {  	_ =	swait.ge [sflag:s9], $0x2800  }
0x117: {  	[sflag:s9] =	ssyncset.done $0x0  }
0x118: {  	[sflag:s9] =	ssyncadd.s32 $0xFFFFD800  }
0x119: {  	_ =	swait.ge [sflag:s11], $0x2800  }
0x11a: {  	[sflag:s11] =	ssyncset.done $0x0  }
0x11b: {  	[sflag:s11] =	ssyncadd.s32 $0xFFFFD800  }
0x11c: {  	_ =	swait.ge [sflag:s13], $0x2800  }
0x11d: {  	[sflag:s13] =	ssyncset.done $0x0  }
0x11e: {  	[sflag:s13] =	ssyncadd.s32 $0xFFFFD800  }
0x11f: {  	_ =	swait.ge [sflag:s15], $0x2800  }
0x120: {  	[sflag:s15] =	ssyncset.done $0x0  }
0x121: {  	[sflag:s15] =	ssyncadd.s32 $0xFFFFD800  }
0x122: {  	_ =	swait.ge [sflag:s17], $0x2800  }
0x123: {  	[sflag:s17] =	ssyncset.done $0x0  }
0x124: {  	[sflag:s17] =	ssyncadd.s32 $0xFFFFD800  }
0x125: {  	_ =	swait.ge [sflag:s18], $0x2800  }
0x126: {  	[sflag:s18] =	ssyncset.done $0x0  }
0x127: {  	[sflag:s18] =	ssyncadd.s32 $0xFFFFD800  }
0x128: {  	_ =	swait.ge [sflag:s19], $0x2800  }
0x129: {  	[sflag:s19] =	ssyncset.done $0x0  }
0x12a: {  	[sflag:s19] =	ssyncadd.s32 $0xFFFFD800  }
0x12b: {  	_ =	swait.ge [sflag:s20], $0x2800  }
0x12c: {  	s22 =	rddreg [dreg:$0x17]  }
0x12d: {  	s23 =	rddreg [dreg:$0x15];
	s21 =	sadd.s32 $0x1, s22  }
0x12e: {  	p0 =	sne.s32 s21, s23  }
.Ltmp1:
0x12f: {  	_ = 	snop;
	(pc) =	sbr.rel @p0 .LBB2_1-.Ltmp1, $3  }
0x130: {  	_ =	sdelay $0x1  }
0x131: {  	[sflag:s20] =	ssyncset.done $0x0  }
0x132: {  	[sflag:s20] =	ssyncadd.s32 $0xFFFFD800  }
0x133: {  	_ =	sfence.sel $0x180000  }
0x134: {  	[bflag:$0x0] =	sbarrier.arrive $0xFFFF  }
0x135: {  	_ =	strace $0x90000047  }
0x136: {  	s0 =	stileid.u32;
	[bflag:$0x2] =	sbarrier.arrive $0xFFFF  }
0x137: {  	p0 =	sne.s32 s0, $0x0;
	s0 =	rddreg [dreg:$0x3]  }
0x138: {  	s0 =	sadd.s32 @!p0 $0x100000, s0  }
0x139: {  	[sflag:s0] =	ssyncadd.tile.s32 @!p0 $0x1;
	_ =	shalt  }
.Lfunc_end2:
_tile_overlayer_lowered:
.L_overlay_start_2:
0x13a: {  	(tag) =	ssettag $0x2  }
0x13b: {  	s0 =	rddreg [dreg:$0x0];
	s2 =	stileid.u32  }
0x13c: {  	s1 =	rddreg [dreg:$0x1];
	p0 =	sne.s32 s2, $0x0  }
0x13d: {  	s3 =	rddreg [dreg:$0x2];
	[bflag:$0x3] =	sbarrier.arrive $0xFFFF;
	s2 =	simm.s32 @!p0 $0x1C11  }
0x13e: {  	[timem:s3], [sflag:s2] =	dma.local @!p0 [hbm:s0], s1  }
0x13f: {  	s0 =	simm.s32 @!p0 $0x11  }
0x140: {  	_ =	swait.ge @!p0 [sflag:s0], s1  }
0x141: {  	s1 =	ssub.s32 @!p0 $0x0, s1;
	[sflag:s0] =	ssyncset.done @!p0 $0x0  }
0x142: {  	[sflag:s0] =	ssyncadd.s32 @!p0 s1  }
0x143: {  	[bflag:$0x3] =	sbarrier.arrive $0xFFFF  }
0x144: {  	_ =	shalt  }

</sc_bundles>
